<compile_context>
chip_gen: v7x
topology: tpu7x:2x2x1
jax: 0.10.2.dev20260603
libtpu: 0.0.44.dev20260713+nightly
codegen_flags: <defaults>
</compile_context>

<pallas_src>
import jax
import jax.numpy as jnp
from jax import lax
from jax.experimental import pallas as pl
from jax.experimental.pallas import tpu as pltpu
from jax.experimental.pallas import tpu_sc as plsc

P_PER_W = 2
EDGE_CHUNK = 6400
UNROLL = 16
LANES = 16


def _matmul_pack_body(w_ref, x_ref, r_ref, c_ref, v_ref, o_ref, e_ref):
    e_ref[0, :] = r_ref[...]
    e_ref[1, :] = c_ref[...]
    e_ref[2, :] = lax.bitcast_convert_type(v_ref[...], jnp.int32)
    psT = lax.dot_general(
        w_ref[...], x_ref[...],
        dimension_numbers=(((0,), (1,)), ((), ())),
        preferred_element_type=jnp.float32)
    bits = lax.bitcast_convert_type(psT, jnp.int32)
    rnd = bits + 0x7FFF + lax.bitwise_and(
        lax.shift_right_logical(bits, 16), 1)
    half = rnd.shape[0] // 2
    lo = lax.shift_right_logical(rnd[:half], 16)
    hi = lax.bitwise_and(rnd[half:], -65536)
    o_ref[...] = lax.bitwise_or(hi, lo)


def _transpose_body(i_ref, o_ref):
    o_ref[...] = i_ref[...].T


def _make_sc_edge_kernel(n, d, e):
    n_chunks = e // EDGE_CHUNK
    n_groups = EDGE_CHUNK // LANES
    def process_chunk(ebuf, cpair, outc):
        mask_hi = jnp.full((LANES,), -65536, jnp.int32)
        @plsc.parallel_loop(0, n_groups, unroll=UNROLL)
        def group_step(g):
            sl = pl.ds(g * LANES, LANES)
            r16 = ebuf[0, sl]
            c16 = ebuf[1, sl]
            v16 = plsc.bitcast(ebuf[2, sl], jnp.float32)
            for p in range(P_PER_W):
                pv = jnp.full((LANES,), p, jnp.int32)
                g16 = plsc.load_gather(cpair, [pv, c16])
                f_lo = plsc.bitcast(lax.shift_left(g16, 16), jnp.float32)
                f_hi = plsc.bitcast(lax.bitwise_and(g16, mask_hi),
                                    jnp.float32)
                jlo = jnp.full((LANES,), p, jnp.int32)
                jhi = jnp.full((LANES,), p + P_PER_W, jnp.int32)
                plsc.addupdate_scatter(outc, [jlo, r16], f_lo * v16)
                plsc.addupdate_scatter(outc, [jhi, r16], f_hi * v16)

    def body(ps_hbm, edges_hbm, out_hbm, cpair, outc, ebuf0, ebuf1,
             sem0, sem1, semc):
        w = lax.axis_index("c") * 16 + lax.axis_index("s")
        p0 = w * P_PER_W

        def chunk_src(k):
            return edges_hbm.at[:, pl.ds(k * EDGE_CHUNK, EDGE_CHUNK)]

        pltpu.async_copy(chunk_src(0), ebuf0, sem0)
        pltpu.async_copy(ps_hbm.at[pl.ds(p0, P_PER_W)], cpair, semc)

        zero = jnp.zeros((LANES,), jnp.float32)

        def zero_step(i, carry):
            for u in range(5):
                for j in range(2 * P_PER_W):
                    outc[j, pl.ds((i * 5 + u) * LANES, LANES)] = zero
            return carry

        lax.fori_loop(0, n // (5 * LANES), zero_step, 0)

        pltpu.make_async_copy(ps_hbm.at[pl.ds(p0, P_PER_W)], cpair,
                              semc).wait()

        def outer(k2, carry):
            k = k2 * 2
            pltpu.make_async_copy(chunk_src(0), ebuf0, sem0).wait()
            pltpu.async_copy(chunk_src(k + 1), ebuf1, sem1)
            process_chunk(ebuf0, cpair, outc)
            pltpu.make_async_copy(chunk_src(0), ebuf1, sem1).wait()

            @pl.when(k + 2 < n_chunks)
            def _():
                pltpu.async_copy(chunk_src(k + 2), ebuf0, sem0)

            process_chunk(ebuf1, cpair, outc)
            return carry

        lax.fori_loop(0, n_chunks // 2, outer, 0)

        pltpu.sync_copy(outc.at[pl.ds(0, P_PER_W)],
                        out_hbm.at[pl.ds(p0, P_PER_W)])
        pltpu.sync_copy(outc.at[pl.ds(P_PER_W, P_PER_W)],
                        out_hbm.at[pl.ds(d // 2 + p0, P_PER_W)])

    mesh = plsc.VectorSubcoreMesh(core_axis_name="c", subcore_axis_name="s")
    return pl.kernel(
        body,
        out_type=jax.ShapeDtypeStruct((d, n), jnp.float32),
        mesh=mesh,
        compiler_params=pltpu.CompilerParams(needs_layout_passes=False),
        scratch_types=[
            pltpu.VMEM((P_PER_W, n), jnp.int32),
            pltpu.VMEM((2 * P_PER_W, n), jnp.float32),
            pltpu.VMEM((3, EDGE_CHUNK), jnp.int32),
            pltpu.VMEM((3, EDGE_CHUNK), jnp.int32),
            pltpu.SemaphoreType.DMA,
            pltpu.SemaphoreType.DMA,
            pltpu.SemaphoreType.DMA,
        ],
    )


def kernel(x, W0, adj_row, adj_col, adj_val):
    n, _ = x.shape
    d = W0.shape[1]
    e = adj_row.shape[0]

    ps_packed, edges = pl.pallas_call(
        _matmul_pack_body,
        out_shape=[
            jax.ShapeDtypeStruct((d // 2, n), jnp.int32),
            jax.ShapeDtypeStruct((3, e), jnp.int32),
        ],
    )(W0, x, adj_row, adj_col, adj_val)

    outT = _make_sc_edge_kernel(n, d, e)(ps_packed, edges)

    out = pl.pallas_call(
        _transpose_body,
        out_shape=jax.ShapeDtypeStruct((n, d), jnp.float32),
    )(outT)
    return out

# --- scband reference (transcript-rebuilt; emitter-appended) ---
"""Pipeline reference for scband-graph-convolution-1013612282172 (READ-ONLY COPY).

The authoritative reference and input builder live on the scoring server;
editing this copy changes nothing except your own understanding.
"""

import jax, jax.numpy as jnp
import numpy as np

N = 10000      # n_nodes
E = 320000     # n_edges (avg_degree=32)
D_IN = 128
D_OUT = 128


def setup_inputs(seed: int = 0) -> dict:
    key = jax.random.key(seed)
    k1, k2, k3, k4, k5 = jax.random.split(key, 5)
    x = jax.random.normal(k1, (N, D_IN), dtype=jnp.float32)
    # learned parameter W0 (len(adj) == 1, so a single weight matrix)
    W0 = jax.random.normal(k2, (D_IN, D_OUT), dtype=jnp.float32)
    # adj[0] as a COO sparse matrix: out = adj[0].mm(pre_sup)
    adj_row = jax.random.randint(k3, (E,), 0, N, dtype=jnp.int32)
    adj_col = jax.random.randint(k4, (E,), 0, N, dtype=jnp.int32)
    # normalized adjacency values (positive, roughly 1/deg scale)
    adj_val = jax.random.uniform(k5, (E,), dtype=jnp.float32) / 32.0
    return {"x": x, "W0": W0, "adj_row": adj_row, "adj_col": adj_col, "adj_val": adj_val}


def reference(x, W0, adj_row, adj_col, adj_val):
    # dropout_rate=0.0 -> dropout is identity
    # featureless=False -> pre_sup = x.mm(W0)
    pre_sup = x @ W0
    # sparse mm: out = adj[0].mm(pre_sup), adj in COO form
    gathered = pre_sup[adj_col] * adj_val[:, None]          # gather by column index
    out = jax.ops.segment_sum(gathered, adj_row, num_segments=N)  # scatter-add by row index
    # act_func is None, bias=False -> return as-is
    return out

if __name__ == "__main__":
    import jax
    _d = setup_inputs()
    print(jax.jit(kernel)(*tuple(_d.values())))

</pallas_src>

<mosaic_0001>
#map = affine_map<(d0, d1) -> (0, 0)>
module attributes {stable_mosaic.version = 14 : i64} {
  func.func @body(%arg0: i32, %arg1: i32, %arg2: memref<64x10000xi32, #tpu.memory_space<hbm>>, %arg3: memref<3x320000xi32, #tpu.memory_space<hbm>>, %arg4: memref<128x10000xf32, #tpu.memory_space<hbm>>, %arg5: memref<2x10000xi32, #tpu.memory_space<vmem>>, %arg6: memref<4x10000xf32, #tpu.memory_space<vmem>>, %arg7: memref<3x6400xi32, #tpu.memory_space<vmem>>, %arg8: memref<3x6400xi32, #tpu.memory_space<vmem>>, %arg9: memref<!tpu.dma_semaphore, #tpu.memory_space<semaphore_mem>>, %arg10: memref<!tpu.dma_semaphore, #tpu.memory_space<semaphore_mem>>, %arg11: memref<!tpu.dma_semaphore, #tpu.memory_space<semaphore_mem>>) attributes {dimension_semantics = [#tpu.dimension_semantics<core_parallel>, #tpu.dimension_semantics<subcore_parallel>], iteration_bounds = array<i64: 2, 16>, scalar_prefetch = 0 : i64, scratch_operands = 7 : i64, tpu.core_type = #tpu.core_type<sc_vector_subcore>, window_params = [{transform_indices = #map}, {transform_indices = #map}, {transform_indices = #map}]} {
    %mul3A = arith.constant 16 : i32
    %mul3A_0 = arith.muli %arg0, %mul3A : i32
    %add3A = arith.addi %mul3A_0, %arg1 : i32
    %mul3A_1 = arith.constant 2 : i32
    %mul3A_2 = arith.muli %add3A, %mul3A_1 : i32
    %dma_start3A = arith.constant 0 : i32
    %dma_start3A_3 = arith.constant 0 : i32
    %dma_start3A_4 = tpu.memref_slice %arg3[%dma_start3A, %dma_start3A_3] : memref<3x320000xi32, #tpu.memory_space<hbm>> -> memref<3x6400xi32, #tpu.memory_space<hbm>>
    %dma_start3A_5 = arith.constant 0 : i32
    %dma_start3A_6 = arith.constant 0 : i32
    %dma_start3A_7 = tpu.memref_slice %arg3[%dma_start3A_5, %dma_start3A_6] : memref<3x320000xi32, #tpu.memory_space<hbm>> -> memref<3x6400xi32, #tpu.memory_space<hbm>>
    tpu.enqueue_dma source(%dma_start3A_7 : memref<3x6400xi32, #tpu.memory_space<hbm>>) target(%arg7 : memref<3x6400xi32, #tpu.memory_space<vmem>>) target_semaphore(%arg9 : memref<!tpu.dma_semaphore, #tpu.memory_space<semaphore_mem>>)
    %dma_start3A_8 = arith.constant 0 : i32
    %dma_start3A_9 = tpu.memref_slice %arg2[%mul3A_2, %dma_start3A_8] : memref<64x10000xi32, #tpu.memory_space<hbm>> -> memref<2x10000xi32, #tpu.memory_space<hbm>>
    %dma_start3A_10 = arith.constant 0 : i32
    %dma_start3A_11 = tpu.memref_slice %arg2[%mul3A_2, %dma_start3A_10] : memref<64x10000xi32, #tpu.memory_space<hbm>> -> memref<2x10000xi32, #tpu.memory_space<hbm>>
    tpu.enqueue_dma source(%dma_start3A_11 : memref<2x10000xi32, #tpu.memory_space<hbm>>) target(%arg5 : memref<2x10000xi32, #tpu.memory_space<vmem>>) target_semaphore(%arg11 : memref<!tpu.dma_semaphore, #tpu.memory_space<semaphore_mem>>)
    %broadcast_in_dim3A = arith.constant 0.000000e+00 : f32
    %broadcast_in_dim3A_12 = vector.broadcast %broadcast_in_dim3A : f32 to vector<16xf32>
    %scan3A = arith.constant 0 : i32
    %scan3A_13 = arith.constant 0 : i32
    %scan3A_14 = arith.constant 125 : i32
    %scan3A_15 = arith.addi %scan3A_13, %scan3A_14 : i32
    %scan3A_16 = arith.constant 1 : i32
    scf.for %scan3A_29 = %scan3A_13 to %scan3A_15 step %scan3A_16  : i32 {
      %mul3A_30 = arith.constant 5 : i32
      %mul3A_31 = arith.muli %scan3A_29, %mul3A_30 : i32
      %add3A_32 = arith.constant 0 : i32
      %add3A_33 = arith.addi %mul3A_31, %add3A_32 : i32
      %mul3A_34 = arith.constant 16 : i32
      %mul3A_35 = arith.muli %add3A_33, %mul3A_34 : i32
      %swap3A = arith.constant 0 : i32
      %swap3A_36 = arith.index_cast %swap3A : i32 to index
      %swap3A_37 = arith.index_cast %mul3A_35 : i32 to index
      %swap3A_38 = tpu.vector_load %arg6[%swap3A_36, %swap3A_37] {strides = array<i32>} : memref<4x10000xf32, #tpu.memory_space<vmem>>, vector<16xf32>,
      tpu.vector_store %arg6[%swap3A_36, %swap3A_37], %broadcast_in_dim3A_12 {strides = array<i32>} : memref<4x10000xf32, #tpu.memory_space<vmem>>, vector<16xf32>,
      %mul3A_39 = arith.constant 5 : i32
      %mul3A_40 = arith.muli %scan3A_29, %mul3A_39 : i32
      %add3A_41 = arith.constant 0 : i32
      %add3A_42 = arith.addi %mul3A_40, %add3A_41 : i32
      %mul3A_43 = arith.constant 16 : i32
      %mul3A_44 = arith.muli %add3A_42, %mul3A_43 : i32
      %swap3A_45 = arith.constant 1 : i32
      %swap3A_46 = arith.index_cast %swap3A_45 : i32 to index
      %swap3A_47 = arith.index_cast %mul3A_44 : i32 to index
      %swap3A_48 = tpu.vector_load %arg6[%swap3A_46, %swap3A_47] {strides = array<i32>} : memref<4x10000xf32, #tpu.memory_space<vmem>>, vector<16xf32>,
      tpu.vector_store %arg6[%swap3A_46, %swap3A_47], %broadcast_in_dim3A_12 {strides = array<i32>} : memref<4x10000xf32, #tpu.memory_space<vmem>>, vector<16xf32>,
      %mul3A_49 = arith.constant 5 : i32
      %mul3A_50 = arith.muli %scan3A_29, %mul3A_49 : i32
      %add3A_51 = arith.constant 0 : i32
      %add3A_52 = arith.addi %mul3A_50, %add3A_51 : i32
      %mul3A_53 = arith.constant 16 : i32
      %mul3A_54 = arith.muli %add3A_52, %mul3A_53 : i32
      %swap3A_55 = arith.constant 2 : i32
      %swap3A_56 = arith.index_cast %swap3A_55 : i32 to index
      %swap3A_57 = arith.index_cast %mul3A_54 : i32 to index
      %swap3A_58 = tpu.vector_load %arg6[%swap3A_56, %swap3A_57] {strides = array<i32>} : memref<4x10000xf32, #tpu.memory_space<vmem>>, vector<16xf32>,
      tpu.vector_store %arg6[%swap3A_56, %swap3A_57], %broadcast_in_dim3A_12 {strides = array<i32>} : memref<4x10000xf32, #tpu.memory_space<vmem>>, vector<16xf32>,
      %mul3A_59 = arith.constant 5 : i32
      %mul3A_60 = arith.muli %scan3A_29, %mul3A_59 : i32
      %add3A_61 = arith.constant 0 : i32
      %add3A_62 = arith.addi %mul3A_60, %add3A_61 : i32
      %mul3A_63 = arith.constant 16 : i32
      %mul3A_64 = arith.muli %add3A_62, %mul3A_63 : i32
      %swap3A_65 = arith.constant 3 : i32
      %swap3A_66 = arith.index_cast %swap3A_65 : i32 to index
      %swap3A_67 = arith.index_cast %mul3A_64 : i32 to index
      %swap3A_68 = tpu.vector_load %arg6[%swap3A_66, %swap3A_67] {strides = array<i32>} : memref<4x10000xf32, #tpu.memory_space<vmem>>, vector<16xf32>,
      tpu.vector_store %arg6[%swap3A_66, %swap3A_67], %broadcast_in_dim3A_12 {strides = array<i32>} : memref<4x10000xf32, #tpu.memory_space<vmem>>, vector<16xf32>,
      %mul3A_69 = arith.constant 5 : i32
      %mul3A_70 = arith.muli %scan3A_29, %mul3A_69 : i32
      %add3A_71 = arith.constant 1 : i32
      %add3A_72 = arith.addi %mul3A_70, %add3A_71 : i32
      %mul3A_73 = arith.constant 16 : i32
      %mul3A_74 = arith.muli %add3A_72, %mul3A_73 : i32
      %swap3A_75 = arith.constant 0 : i32
      %swap3A_76 = arith.index_cast %swap3A_75 : i32 to index
      %swap3A_77 = arith.index_cast %mul3A_74 : i32 to index
      %swap3A_78 = tpu.vector_load %arg6[%swap3A_76, %swap3A_77] {strides = array<i32>} : memref<4x10000xf32, #tpu.memory_space<vmem>>, vector<16xf32>,
      tpu.vector_store %arg6[%swap3A_76, %swap3A_77], %broadcast_in_dim3A_12 {strides = array<i32>} : memref<4x10000xf32, #tpu.memory_space<vmem>>, vector<16xf32>,
      %mul3A_79 = arith.constant 5 : i32
      %mul3A_80 = arith.muli %scan3A_29, %mul3A_79 : i32
      %add3A_81 = arith.constant 1 : i32
      %add3A_82 = arith.addi %mul3A_80, %add3A_81 : i32
      %mul3A_83 = arith.constant 16 : i32
      %mul3A_84 = arith.muli %add3A_82, %mul3A_83 : i32
      %swap3A_85 = arith.constant 1 : i32
      %swap3A_86 = arith.index_cast %swap3A_85 : i32 to index
      %swap3A_87 = arith.index_cast %mul3A_84 : i32 to index
      %swap3A_88 = tpu.vector_load %arg6[%swap3A_86, %swap3A_87] {strides = array<i32>} : memref<4x10000xf32, #tpu.memory_space<vmem>>, vector<16xf32>,
      tpu.vector_store %arg6[%swap3A_86, %swap3A_87], %broadcast_in_dim3A_12 {strides = array<i32>} : memref<4x10000xf32, #tpu.memory_space<vmem>>, vector<16xf32>,
      %mul3A_89 = arith.constant 5 : i32
      %mul3A_90 = arith.muli %scan3A_29, %mul3A_89 : i32
      %add3A_91 = arith.constant 1 : i32
      %add3A_92 = arith.addi %mul3A_90, %add3A_91 : i32
      %mul3A_93 = arith.constant 16 : i32
      %mul3A_94 = arith.muli %add3A_92, %mul3A_93 : i32
      %swap3A_95 = arith.constant 2 : i32
      %swap3A_96 = arith.index_cast %swap3A_95 : i32 to index
      %swap3A_97 = arith.index_cast %mul3A_94 : i32 to index
      %swap3A_98 = tpu.vector_load %arg6[%swap3A_96, %swap3A_97] {strides = array<i32>} : memref<4x10000xf32, #tpu.memory_space<vmem>>, vector<16xf32>,
      tpu.vector_store %arg6[%swap3A_96, %swap3A_97], %broadcast_in_dim3A_12 {strides = array<i32>} : memref<4x10000xf32, #tpu.memory_space<vmem>>, vector<16xf32>,
      %mul3A_99 = arith.constant 5 : i32
      %mul3A_100 = arith.muli %scan3A_29, %mul3A_99 : i32
      %add3A_101 = arith.constant 1 : i32
      %add3A_102 = arith.addi %mul3A_100, %add3A_101 : i32
      %mul3A_103 = arith.constant 16 : i32
      %mul3A_104 = arith.muli %add3A_102, %mul3A_103 : i32
      %swap3A_105 = arith.constant 3 : i32
      %swap3A_106 = arith.index_cast %swap3A_105 : i32 to index
      %swap3A_107 = arith.index_cast %mul3A_104 : i32 to index
      %swap3A_108 = tpu.vector_load %arg6[%swap3A_106, %swap3A_107] {strides = array<i32>} : memref<4x10000xf32, #tpu.memory_space<vmem>>, vector<16xf32>,
      tpu.vector_store %arg6[%swap3A_106, %swap3A_107], %broadcast_in_dim3A_12 {strides = array<i32>} : memref<4x10000xf32, #tpu.memory_space<vmem>>, vector<16xf32>,
      %mul3A_109 = arith.constant 5 : i32
      %mul3A_110 = arith.muli %scan3A_29, %mul3A_109 : i32
      %add3A_111 = arith.constant 2 : i32
      %add3A_112 = arith.addi %mul3A_110, %add3A_111 : i32
      %mul3A_113 = arith.constant 16 : i32
      %mul3A_114 = arith.muli %add3A_112, %mul3A_113 : i32
      %swap3A_115 = arith.constant 0 : i32
      %swap3A_116 = arith.index_cast %swap3A_115 : i32 to index
      %swap3A_117 = arith.index_cast %mul3A_114 : i32 to index
      %swap3A_118 = tpu.vector_load %arg6[%swap3A_116, %swap3A_117] {strides = array<i32>} : memref<4x10000xf32, #tpu.memory_space<vmem>>, vector<16xf32>,
      tpu.vector_store %arg6[%swap3A_116, %swap3A_117], %broadcast_in_dim3A_12 {strides = array<i32>} : memref<4x10000xf32, #tpu.memory_space<vmem>>, vector<16xf32>,
      %mul3A_119 = arith.constant 5 : i32
      %mul3A_120 = arith.muli %scan3A_29, %mul3A_119 : i32
      %add3A_121 = arith.constant 2 : i32
      %add3A_122 = arith.addi %mul3A_120, %add3A_121 : i32
      %mul3A_123 = arith.constant 16 : i32
      %mul3A_124 = arith.muli %add3A_122, %mul3A_123 : i32
      %swap3A_125 = arith.constant 1 : i32
      %swap3A_126 = arith.index_cast %swap3A_125 : i32 to index
      %swap3A_127 = arith.index_cast %mul3A_124 : i32 to index
      %swap3A_128 = tpu.vector_load %arg6[%swap3A_126, %swap3A_127] {strides = array<i32>} : memref<4x10000xf32, #tpu.memory_space<vmem>>, vector<16xf32>,
      tpu.vector_store %arg6[%swap3A_126, %swap3A_127], %broadcast_in_dim3A_12 {strides = array<i32>} : memref<4x10000xf32, #tpu.memory_space<vmem>>, vector<16xf32>,
      %mul3A_129 = arith.constant 5 : i32
      %mul3A_130 = arith.muli %scan3A_29, %mul3A_129 : i32
      %add3A_131 = arith.constant 2 : i32
      %add3A_132 = arith.addi %mul3A_130, %add3A_131 : i32
      %mul3A_133 = arith.constant 16 : i32
      %mul3A_134 = arith.muli %add3A_132, %mul3A_133 : i32
      %swap3A_135 = arith.constant 2 : i32
      %swap3A_136 = arith.index_cast %swap3A_135 : i32 to index
      %swap3A_137 = arith.index_cast %mul3A_134 : i32 to index
      %swap3A_138 = tpu.vector_load %arg6[%swap3A_136, %swap3A_137] {strides = array<i32>} : memref<4x10000xf32, #tpu.memory_space<vmem>>, vector<16xf32>,
      tpu.vector_store %arg6[%swap3A_136, %swap3A_137], %broadcast_in_dim3A_12 {strides = array<i32>} : memref<4x10000xf32, #tpu.memory_space<vmem>>, vector<16xf32>,
      %mul3A_139 = arith.constant 5 : i32
      %mul3A_140 = arith.muli %scan3A_29, %mul3A_139 : i32
      %add3A_141 = arith.constant 2 : i32
      %add3A_142 = arith.addi %mul3A_140, %add3A_141 : i32
      %mul3A_143 = arith.constant 16 : i32
      %mul3A_144 = arith.muli %add3A_142, %mul3A_143 : i32
      %swap3A_145 = arith.constant 3 : i32
      %swap3A_146 = arith.index_cast %swap3A_145 : i32 to index
      %swap3A_147 = arith.index_cast %mul3A_144 : i32 to index
      %swap3A_148 = tpu.vector_load %arg6[%swap3A_146, %swap3A_147] {strides = array<i32>} : memref<4x10000xf32, #tpu.memory_space<vmem>>, vector<16xf32>,
      tpu.vector_store %arg6[%swap3A_146, %swap3A_147], %broadcast_in_dim3A_12 {strides = array<i32>} : memref<4x10000xf32, #tpu.memory_space<vmem>>, vector<16xf32>,
      %mul3A_149 = arith.constant 5 : i32
      %mul3A_150 = arith.muli %scan3A_29, %mul3A_149 : i32
      %add3A_151 = arith.constant 3 : i32
      %add3A_152 = arith.addi %mul3A_150, %add3A_151 : i32
      %mul3A_153 = arith.constant 16 : i32
      %mul3A_154 = arith.muli %add3A_152, %mul3A_153 : i32
      %swap3A_155 = arith.constant 0 : i32
      %swap3A_156 = arith.index_cast %swap3A_155 : i32 to index
      %swap3A_157 = arith.index_cast %mul3A_154 : i32 to index
      %swap3A_158 = tpu.vector_load %arg6[%swap3A_156, %swap3A_157] {strides = array<i32>} : memref<4x10000xf32, #tpu.memory_space<vmem>>, vector<16xf32>,
      tpu.vector_store %arg6[%swap3A_156, %swap3A_157], %broadcast_in_dim3A_12 {strides = array<i32>} : memref<4x10000xf32, #tpu.memory_space<vmem>>, vector<16xf32>,
      %mul3A_159 = arith.constant 5 : i32
      %mul3A_160 = arith.muli %scan3A_29, %mul3A_159 : i32
      %add3A_161 = arith.constant 3 : i32
      %add3A_162 = arith.addi %mul3A_160, %add3A_161 : i32
      %mul3A_163 = arith.constant 16 : i32
      %mul3A_164 = arith.muli %add3A_162, %mul3A_163 : i32
      %swap3A_165 = arith.constant 1 : i32
      %swap3A_166 = arith.index_cast %swap3A_165 : i32 to index
      %swap3A_167 = arith.index_cast %mul3A_164 : i32 to index
      %swap3A_168 = tpu.vector_load %arg6[%swap3A_166, %swap3A_167] {strides = array<i32>} : memref<4x10000xf32, #tpu.memory_space<vmem>>, vector<16xf32>,
      tpu.vector_store %arg6[%swap3A_166, %swap3A_167], %broadcast_in_dim3A_12 {strides = array<i32>} : memref<4x10000xf32, #tpu.memory_space<vmem>>, vector<16xf32>,
      %mul3A_169 = arith.constant 5 : i32
      %mul3A_170 = arith.muli %scan3A_29, %mul3A_169 : i32
      %add3A_171 = arith.constant 3 : i32
      %add3A_172 = arith.addi %mul3A_170, %add3A_171 : i32
      %mul3A_173 = arith.constant 16 : i32
      %mul3A_174 = arith.muli %add3A_172, %mul3A_173 : i32
      %swap3A_175 = arith.constant 2 : i32
      %swap3A_176 = arith.index_cast %swap3A_175 : i32 to index
      %swap3A_177 = arith.index_cast %mul3A_174 : i32 to index
      %swap3A_178 = tpu.vector_load %arg6[%swap3A_176, %swap3A_177] {strides = array<i32>} : memref<4x10000xf32, #tpu.memory_space<vmem>>, vector<16xf32>,
      tpu.vector_store %arg6[%swap3A_176, %swap3A_177], %broadcast_in_dim3A_12 {strides = array<i32>} : memref<4x10000xf32, #tpu.memory_space<vmem>>, vector<16xf32>,
      %mul3A_179 = arith.constant 5 : i32
      %mul3A_180 = arith.muli %scan3A_29, %mul3A_179 : i32
      %add3A_181 = arith.constant 3 : i32
      %add3A_182 = arith.addi %mul3A_180, %add3A_181 : i32
      %mul3A_183 = arith.constant 16 : i32
      %mul3A_184 = arith.muli %add3A_182, %mul3A_183 : i32
      %swap3A_185 = arith.constant 3 : i32
      %swap3A_186 = arith.index_cast %swap3A_185 : i32 to index
      %swap3A_187 = arith.index_cast %mul3A_184 : i32 to index
      %swap3A_188 = tpu.vector_load %arg6[%swap3A_186, %swap3A_187] {strides = array<i32>} : memref<4x10000xf32, #tpu.memory_space<vmem>>, vector<16xf32>,
      tpu.vector_store %arg6[%swap3A_186, %swap3A_187], %broadcast_in_dim3A_12 {strides = array<i32>} : memref<4x10000xf32, #tpu.memory_space<vmem>>, vector<16xf32>,
      %mul3A_189 = arith.constant 5 : i32
      %mul3A_190 = arith.muli %scan3A_29, %mul3A_189 : i32
      %add3A_191 = arith.constant 4 : i32
      %add3A_192 = arith.addi %mul3A_190, %add3A_191 : i32
      %mul3A_193 = arith.constant 16 : i32
      %mul3A_194 = arith.muli %add3A_192, %mul3A_193 : i32
      %swap3A_195 = arith.constant 0 : i32
      %swap3A_196 = arith.index_cast %swap3A_195 : i32 to index
      %swap3A_197 = arith.index_cast %mul3A_194 : i32 to index
      %swap3A_198 = tpu.vector_load %arg6[%swap3A_196, %swap3A_197] {strides = array<i32>} : memref<4x10000xf32, #tpu.memory_space<vmem>>, vector<16xf32>,
      tpu.vector_store %arg6[%swap3A_196, %swap3A_197], %broadcast_in_dim3A_12 {strides = array<i32>} : memref<4x10000xf32, #tpu.memory_space<vmem>>, vector<16xf32>,
      %mul3A_199 = arith.constant 5 : i32
      %mul3A_200 = arith.muli %scan3A_29, %mul3A_199 : i32
      %add3A_201 = arith.constant 4 : i32
      %add3A_202 = arith.addi %mul3A_200, %add3A_201 : i32
      %mul3A_203 = arith.constant 16 : i32
      %mul3A_204 = arith.muli %add3A_202, %mul3A_203 : i32
      %swap3A_205 = arith.constant 1 : i32
      %swap3A_206 = arith.index_cast %swap3A_205 : i32 to index
      %swap3A_207 = arith.index_cast %mul3A_204 : i32 to index
      %swap3A_208 = tpu.vector_load %arg6[%swap3A_206, %swap3A_207] {strides = array<i32>} : memref<4x10000xf32, #tpu.memory_space<vmem>>, vector<16xf32>,
      tpu.vector_store %arg6[%swap3A_206, %swap3A_207], %broadcast_in_dim3A_12 {strides = array<i32>} : memref<4x10000xf32, #tpu.memory_space<vmem>>, vector<16xf32>,
      %mul3A_209 = arith.constant 5 : i32
      %mul3A_210 = arith.muli %scan3A_29, %mul3A_209 : i32
      %add3A_211 = arith.constant 4 : i32
      %add3A_212 = arith.addi %mul3A_210, %add3A_211 : i32
      %mul3A_213 = arith.constant 16 : i32
      %mul3A_214 = arith.muli %add3A_212, %mul3A_213 : i32
      %swap3A_215 = arith.constant 2 : i32
      %swap3A_216 = arith.index_cast %swap3A_215 : i32 to index
      %swap3A_217 = arith.index_cast %mul3A_214 : i32 to index
      %swap3A_218 = tpu.vector_load %arg6[%swap3A_216, %swap3A_217] {strides = array<i32>} : memref<4x10000xf32, #tpu.memory_space<vmem>>, vector<16xf32>,
      tpu.vector_store %arg6[%swap3A_216, %swap3A_217], %broadcast_in_dim3A_12 {strides = array<i32>} : memref<4x10000xf32, #tpu.memory_space<vmem>>, vector<16xf32>,
      %mul3A_219 = arith.constant 5 : i32
      %mul3A_220 = arith.muli %scan3A_29, %mul3A_219 : i32
      %add3A_221 = arith.constant 4 : i32
      %add3A_222 = arith.addi %mul3A_220, %add3A_221 : i32
      %mul3A_223 = arith.constant 16 : i32
      %mul3A_224 = arith.muli %add3A_222, %mul3A_223 : i32
      %swap3A_225 = arith.constant 3 : i32
      %swap3A_226 = arith.index_cast %swap3A_225 : i32 to index
      %swap3A_227 = arith.index_cast %mul3A_224 : i32 to index
      %swap3A_228 = tpu.vector_load %arg6[%swap3A_226, %swap3A_227] {strides = array<i32>} : memref<4x10000xf32, #tpu.memory_space<vmem>>, vector<16xf32>,
      tpu.vector_store %arg6[%swap3A_226, %swap3A_227], %broadcast_in_dim3A_12 {strides = array<i32>} : memref<4x10000xf32, #tpu.memory_space<vmem>>, vector<16xf32>,
    }
    %scan3A_17 = arith.constant 125 : i32
    %dma_wait3A = arith.constant 0 : i32
    %dma_wait3A_18 = tpu.memref_slice %arg2[%mul3A_2, %dma_wait3A] : memref<64x10000xi32, #tpu.memory_space<hbm>> -> memref<2x10000xi32, #tpu.memory_space<hbm>>
    %dma_wait3A_19 = arith.constant 0 : i32
    %dma_wait3A_20 = tpu.memref_slice %arg2[%mul3A_2, %dma_wait3A_19] : memref<64x10000xi32, #tpu.memory_space<hbm>> -> memref<2x10000xi32, #tpu.memory_space<hbm>>
    tpu.wait_dma2 semaphore(%arg11 : memref<!tpu.dma_semaphore, #tpu.memory_space<semaphore_mem>>) src(%dma_wait3A_20 : memref<2x10000xi32, #tpu.memory_space<hbm>>) dst(%arg5 : memref<2x10000xi32, #tpu.memory_space<vmem>>)
    %scan3A_21 = arith.constant 0 : i32
    %scan3A_22 = arith.constant 0 : i32
    %scan3A_23 = arith.constant 25 : i32
    %scan3A_24 = arith.addi %scan3A_22, %scan3A_23 : i32
    %scan3A_25 = arith.constant 1 : i32
    scf.for %scan3A_29 = %scan3A_22 to %scan3A_24 step %scan3A_25  : i32 {
      %mul3A_30 = arith.constant 2 : i32
      %mul3A_31 = arith.muli %scan3A_29, %mul3A_30 : i32
      %dma_wait3A_32 = arith.constant 0 : i32
      %dma_wait3A_33 = arith.constant 0 : i32
      %dma_wait3A_34 = tpu.memref_slice %arg3[%dma_wait3A_32, %dma_wait3A_33] : memref<3x320000xi32, #tpu.memory_space<hbm>> -> memref<3x6400xi32, #tpu.memory_space<hbm>>
      %dma_wait3A_35 = arith.constant 0 : i32
      %dma_wait3A_36 = arith.constant 0 : i32
      %dma_wait3A_37 = tpu.memref_slice %arg3[%dma_wait3A_35, %dma_wait3A_36] : memref<3x320000xi32, #tpu.memory_space<hbm>> -> memref<3x6400xi32, #tpu.memory_space<hbm>>
      tpu.wait_dma2 semaphore(%arg9 : memref<!tpu.dma_semaphore, #tpu.memory_space<semaphore_mem>>) src(%dma_wait3A_37 : memref<3x6400xi32, #tpu.memory_space<hbm>>) dst(%arg7 : memref<3x6400xi32, #tpu.memory_space<vmem>>)
      %add3A_38 = arith.constant 1 : i32
      %add3A_39 = arith.addi %mul3A_31, %add3A_38 : i32
      %mul3A_40 = arith.constant 6400 : i32
      %mul3A_41 = arith.muli %add3A_39, %mul3A_40 : i32
      %dma_start3A_42 = arith.constant 0 : i32
      %dma_start3A_43 = tpu.memref_slice %arg3[%dma_start3A_42, %mul3A_41] : memref<3x320000xi32, #tpu.memory_space<hbm>> -> memref<3x6400xi32, #tpu.memory_space<hbm>>
      %dma_start3A_44 = arith.constant 0 : i32
      %dma_start3A_45 = tpu.memref_slice %arg3[%dma_start3A_44, %mul3A_41] : memref<3x320000xi32, #tpu.memory_space<hbm>> -> memref<3x6400xi32, #tpu.memory_space<hbm>>
      tpu.enqueue_dma source(%dma_start3A_45 : memref<3x6400xi32, #tpu.memory_space<hbm>>) target(%arg8 : memref<3x6400xi32, #tpu.memory_space<vmem>>) target_semaphore(%arg10 : memref<!tpu.dma_semaphore, #tpu.memory_space<semaphore_mem>>)
      %broadcast_in_dim3A_46 = arith.constant -65536 : i32
      %broadcast_in_dim3A_47 = vector.broadcast %broadcast_in_dim3A_46 : i32 to vector<16xi32>
      %parallel_loop3A = arith.constant 0 : i32
      %parallel_loop3A_48 = arith.constant 400 : i32
      %parallel_loop3A_49 = arith.constant 1 : i32
      scf.for %parallel_loop3A_65 = %parallel_loop3A to %parallel_loop3A_48 step %parallel_loop3A_49  : i32 {
        %parallel_loop3A_66 = arith.constant 16 : i32
        %parallel_loop3A_67 = arith.muli %parallel_loop3A_65, %parallel_loop3A_66 : i32
        %parallel_loop3A_68 = arith.constant 0 : i32
        %parallel_loop3A_69 = arith.index_cast %parallel_loop3A_68 : i32 to index
        %parallel_loop3A_70 = arith.index_cast %parallel_loop3A_67 : i32 to index
        %parallel_loop3A_71 = tpu.vector_load %arg7[%parallel_loop3A_69, %parallel_loop3A_70] {strides = array<i32>} : memref<3x6400xi32, #tpu.memory_space<vmem>>, vector<16xi32>,
        %parallel_loop3A_72 = arith.constant 1 : i32
        %parallel_loop3A_73 = arith.index_cast %parallel_loop3A_72 : i32 to index
        %parallel_loop3A_74 = arith.index_cast %parallel_loop3A_67 : i32 to index
        %parallel_loop3A_75 = tpu.vector_load %arg7[%parallel_loop3A_73, %parallel_loop3A_74] {strides = array<i32>} : memref<3x6400xi32, #tpu.memory_space<vmem>>, vector<16xi32>,
        %parallel_loop3A_76 = arith.constant 2 : i32
        %parallel_loop3A_77 = arith.index_cast %parallel_loop3A_76 : i32 to index
        %parallel_loop3A_78 = arith.index_cast %parallel_loop3A_67 : i32 to index
        %parallel_loop3A_79 = tpu.vector_load %arg7[%parallel_loop3A_77, %parallel_loop3A_78] {strides = array<i32>} : memref<3x6400xi32, #tpu.memory_space<vmem>>, vector<16xi32>,
        %parallel_loop3A_80 = vector.bitcast %parallel_loop3A_79 : vector<16xi32> to vector<16xf32>
        %parallel_loop3A_81 = arith.constant 0 : i32
        %parallel_loop3A_82 = vector.broadcast %parallel_loop3A_81 : i32 to vector<16xi32>
        %parallel_loop3A_83 = tpu.vector_load_idx %arg5[%parallel_loop3A_82, %parallel_loop3A_75] : memref<2x10000xi32, #tpu.memory_space<vmem>>[vector<16xi32>, vector<16xi32>], vector<16xi32>,
        %parallel_loop3A_84 = arith.constant 16 : i32
        %parallel_loop3A_85 = vector.broadcast %parallel_loop3A_84 : i32 to vector<16xi32>
        %parallel_loop3A_86 = arith.shli %parallel_loop3A_83, %parallel_loop3A_85 : vector<16xi32>
        %parallel_loop3A_87 = vector.bitcast %parallel_loop3A_86 : vector<16xi32> to vector<16xf32>
        %parallel_loop3A_88 = arith.andi %parallel_loop3A_83, %broadcast_in_dim3A_47 : vector<16xi32>
        %parallel_loop3A_89 = vector.bitcast %parallel_loop3A_88 : vector<16xi32> to vector<16xf32>
        %parallel_loop3A_90 = arith.constant 0 : i32
        %parallel_loop3A_91 = vector.broadcast %parallel_loop3A_90 : i32 to vector<16xi32>
        %parallel_loop3A_92 = arith.constant 2 : i32
        %parallel_loop3A_93 = vector.broadcast %parallel_loop3A_92 : i32 to vector<16xi32>
        %parallel_loop3A_94 = arith.mulf %parallel_loop3A_87, %parallel_loop3A_80 : vector<16xf32>
        tpu.vector_store_idx %arg6[%parallel_loop3A_91, %parallel_loop3A_71], %parallel_loop3A_94 {add = true} : memref<4x10000xf32, #tpu.memory_space<vmem>>[vector<16xi32>, vector<16xi32>], vector<16xf32>,
        %parallel_loop3A_95 = arith.mulf %parallel_loop3A_89, %parallel_loop3A_80 : vector<16xf32>
        tpu.vector_store_idx %arg6[%parallel_loop3A_93, %parallel_loop3A_71], %parallel_loop3A_95 {add = true} : memref<4x10000xf32, #tpu.memory_space<vmem>>[vector<16xi32>, vector<16xi32>], vector<16xf32>,
        %parallel_loop3A_96 = arith.constant 1 : i32
        %parallel_loop3A_97 = vector.broadcast %parallel_loop3A_96 : i32 to vector<16xi32>
        %parallel_loop3A_98 = tpu.vector_load_idx %arg5[%parallel_loop3A_97, %parallel_loop3A_75] : memref<2x10000xi32, #tpu.memory_space<vmem>>[vector<16xi32>, vector<16xi32>], vector<16xi32>,
        %parallel_loop3A_99 = arith.constant 16 : i32
        %parallel_loop3A_100 = vector.broadcast %parallel_loop3A_99 : i32 to vector<16xi32>
        %parallel_loop3A_101 = arith.shli %parallel_loop3A_98, %parallel_loop3A_100 : vector<16xi32>
        %parallel_loop3A_102 = vector.bitcast %parallel_loop3A_101 : vector<16xi32> to vector<16xf32>
        %parallel_loop3A_103 = arith.andi %parallel_loop3A_98, %broadcast_in_dim3A_47 : vector<16xi32>
        %parallel_loop3A_104 = vector.bitcast %parallel_loop3A_103 : vector<16xi32> to vector<16xf32>
        %parallel_loop3A_105 = arith.constant 1 : i32
        %parallel_loop3A_106 = vector.broadcast %parallel_loop3A_105 : i32 to vector<16xi32>
        %parallel_loop3A_107 = arith.constant 3 : i32
        %parallel_loop3A_108 = vector.broadcast %parallel_loop3A_107 : i32 to vector<16xi32>
        %parallel_loop3A_109 = arith.mulf %parallel_loop3A_102, %parallel_loop3A_80 : vector<16xf32>
        tpu.vector_store_idx %arg6[%parallel_loop3A_106, %parallel_loop3A_71], %parallel_loop3A_109 {add = true} : memref<4x10000xf32, #tpu.memory_space<vmem>>[vector<16xi32>, vector<16xi32>], vector<16xf32>,
        %parallel_loop3A_110 = arith.mulf %parallel_loop3A_104, %parallel_loop3A_80 : vector<16xf32>
        tpu.vector_store_idx %arg6[%parallel_loop3A_108, %parallel_loop3A_71], %parallel_loop3A_110 {add = true} : memref<4x10000xf32, #tpu.memory_space<vmem>>[vector<16xi32>, vector<16xi32>], vector<16xf32>,
      } {sc.loop_unroll_factor = 16 : i64, sc.parallel_access}
      %dma_wait3A_50 = arith.constant 0 : i32
      %dma_wait3A_51 = arith.constant 0 : i32
      %dma_wait3A_52 = tpu.memref_slice %arg3[%dma_wait3A_50, %dma_wait3A_51] : memref<3x320000xi32, #tpu.memory_space<hbm>> -> memref<3x6400xi32, #tpu.memory_space<hbm>>
      %dma_wait3A_53 = arith.constant 0 : i32
      %dma_wait3A_54 = arith.constant 0 : i32
      %dma_wait3A_55 = tpu.memref_slice %arg3[%dma_wait3A_53, %dma_wait3A_54] : memref<3x320000xi32, #tpu.memory_space<hbm>> -> memref<3x6400xi32, #tpu.memory_space<hbm>>
      tpu.wait_dma2 semaphore(%arg10 : memref<!tpu.dma_semaphore, #tpu.memory_space<semaphore_mem>>) src(%dma_wait3A_55 : memref<3x6400xi32, #tpu.memory_space<hbm>>) dst(%arg8 : memref<3x6400xi32, #tpu.memory_space<vmem>>)
      %add3A_56 = arith.constant 2 : i32
      %add3A_57 = arith.addi %mul3A_31, %add3A_56 : i32
      %lt3A = arith.constant 50 : i32
      %lt3A_58 = arith.cmpi slt, %add3A_57, %lt3A : i32
      %convert_element_type3A = arith.extui %lt3A_58 : i1 to i32
      %cond3A = arith.constant 0 : i32
      %cond3A_59 = arith.cmpi ne, %convert_element_type3A, %cond3A : i32
      scf.if %cond3A_59 {
        %add3A_65 = arith.constant 2 : i32
        %add3A_66 = arith.addi %mul3A_31, %add3A_65 : i32
        %mul3A_67 = arith.constant 6400 : i32
        %mul3A_68 = arith.muli %add3A_66, %mul3A_67 : i32
        %dma_start3A_69 = arith.constant 0 : i32
        %dma_start3A_70 = tpu.memref_slice %arg3[%dma_start3A_69, %mul3A_68] : memref<3x320000xi32, #tpu.memory_space<hbm>> -> memref<3x6400xi32, #tpu.memory_space<hbm>>
        %dma_start3A_71 = arith.constant 0 : i32
        %dma_start3A_72 = tpu.memref_slice %arg3[%dma_start3A_71, %mul3A_68] : memref<3x320000xi32, #tpu.memory_space<hbm>> -> memref<3x6400xi32, #tpu.memory_space<hbm>>
        tpu.enqueue_dma source(%dma_start3A_72 : memref<3x6400xi32, #tpu.memory_space<hbm>>) target(%arg7 : memref<3x6400xi32, #tpu.memory_space<vmem>>) target_semaphore(%arg9 : memref<!tpu.dma_semaphore, #tpu.memory_space<semaphore_mem>>)
      } else {
      }
      %broadcast_in_dim3A_60 = arith.constant -65536 : i32
      %broadcast_in_dim3A_61 = vector.broadcast %broadcast_in_dim3A_60 : i32 to vector<16xi32>
      %parallel_loop3A_62 = arith.constant 0 : i32
      %parallel_loop3A_63 = arith.constant 400 : i32
      %parallel_loop3A_64 = arith.constant 1 : i32
      scf.for %parallel_loop3A_65 = %parallel_loop3A_62 to %parallel_loop3A_63 step %parallel_loop3A_64  : i32 {
        %parallel_loop3A_66 = arith.constant 16 : i32
        %parallel_loop3A_67 = arith.muli %parallel_loop3A_65, %parallel_loop3A_66 : i32
        %parallel_loop3A_68 = arith.constant 0 : i32
        %parallel_loop3A_69 = arith.index_cast %parallel_loop3A_68 : i32 to index
        %parallel_loop3A_70 = arith.index_cast %parallel_loop3A_67 : i32 to index
        %parallel_loop3A_71 = tpu.vector_load %arg8[%parallel_loop3A_69, %parallel_loop3A_70] {strides = array<i32>} : memref<3x6400xi32, #tpu.memory_space<vmem>>, vector<16xi32>,
        %parallel_loop3A_72 = arith.constant 1 : i32
        %parallel_loop3A_73 = arith.index_cast %parallel_loop3A_72 : i32 to index
        %parallel_loop3A_74 = arith.index_cast %parallel_loop3A_67 : i32 to index
        %parallel_loop3A_75 = tpu.vector_load %arg8[%parallel_loop3A_73, %parallel_loop3A_74] {strides = array<i32>} : memref<3x6400xi32, #tpu.memory_space<vmem>>, vector<16xi32>,
        %parallel_loop3A_76 = arith.constant 2 : i32
        %parallel_loop3A_77 = arith.index_cast %parallel_loop3A_76 : i32 to index
        %parallel_loop3A_78 = arith.index_cast %parallel_loop3A_67 : i32 to index
        %parallel_loop3A_79 = tpu.vector_load %arg8[%parallel_loop3A_77, %parallel_loop3A_78] {strides = array<i32>} : memref<3x6400xi32, #tpu.memory_space<vmem>>, vector<16xi32>,
        %parallel_loop3A_80 = vector.bitcast %parallel_loop3A_79 : vector<16xi32> to vector<16xf32>
        %parallel_loop3A_81 = arith.constant 0 : i32
        %parallel_loop3A_82 = vector.broadcast %parallel_loop3A_81 : i32 to vector<16xi32>
        %parallel_loop3A_83 = tpu.vector_load_idx %arg5[%parallel_loop3A_82, %parallel_loop3A_75] : memref<2x10000xi32, #tpu.memory_space<vmem>>[vector<16xi32>, vector<16xi32>], vector<16xi32>,
        %parallel_loop3A_84 = arith.constant 16 : i32
        %parallel_loop3A_85 = vector.broadcast %parallel_loop3A_84 : i32 to vector<16xi32>
        %parallel_loop3A_86 = arith.shli %parallel_loop3A_83, %parallel_loop3A_85 : vector<16xi32>
        %parallel_loop3A_87 = vector.bitcast %parallel_loop3A_86 : vector<16xi32> to vector<16xf32>
        %parallel_loop3A_88 = arith.andi %parallel_loop3A_83, %broadcast_in_dim3A_61 : vector<16xi32>
        %parallel_loop3A_89 = vector.bitcast %parallel_loop3A_88 : vector<16xi32> to vector<16xf32>
        %parallel_loop3A_90 = arith.constant 0 : i32
        %parallel_loop3A_91 = vector.broadcast %parallel_loop3A_90 : i32 to vector<16xi32>
        %parallel_loop3A_92 = arith.constant 2 : i32
        %parallel_loop3A_93 = vector.broadcast %parallel_loop3A_92 : i32 to vector<16xi32>
        %parallel_loop3A_94 = arith.mulf %parallel_loop3A_87, %parallel_loop3A_80 : vector<16xf32>
        tpu.vector_store_idx %arg6[%parallel_loop3A_91, %parallel_loop3A_71], %parallel_loop3A_94 {add = true} : memref<4x10000xf32, #tpu.memory_space<vmem>>[vector<16xi32>, vector<16xi32>], vector<16xf32>,
        %parallel_loop3A_95 = arith.mulf %parallel_loop3A_89, %parallel_loop3A_80 : vector<16xf32>
        tpu.vector_store_idx %arg6[%parallel_loop3A_93, %parallel_loop3A_71], %parallel_loop3A_95 {add = true} : memref<4x10000xf32, #tpu.memory_space<vmem>>[vector<16xi32>, vector<16xi32>], vector<16xf32>,
        %parallel_loop3A_96 = arith.constant 1 : i32
        %parallel_loop3A_97 = vector.broadcast %parallel_loop3A_96 : i32 to vector<16xi32>
        %parallel_loop3A_98 = tpu.vector_load_idx %arg5[%parallel_loop3A_97, %parallel_loop3A_75] : memref<2x10000xi32, #tpu.memory_space<vmem>>[vector<16xi32>, vector<16xi32>], vector<16xi32>,
        %parallel_loop3A_99 = arith.constant 16 : i32
        %parallel_loop3A_100 = vector.broadcast %parallel_loop3A_99 : i32 to vector<16xi32>
        %parallel_loop3A_101 = arith.shli %parallel_loop3A_98, %parallel_loop3A_100 : vector<16xi32>
        %parallel_loop3A_102 = vector.bitcast %parallel_loop3A_101 : vector<16xi32> to vector<16xf32>
        %parallel_loop3A_103 = arith.andi %parallel_loop3A_98, %broadcast_in_dim3A_61 : vector<16xi32>
        %parallel_loop3A_104 = vector.bitcast %parallel_loop3A_103 : vector<16xi32> to vector<16xf32>
        %parallel_loop3A_105 = arith.constant 1 : i32
        %parallel_loop3A_106 = vector.broadcast %parallel_loop3A_105 : i32 to vector<16xi32>
        %parallel_loop3A_107 = arith.constant 3 : i32
        %parallel_loop3A_108 = vector.broadcast %parallel_loop3A_107 : i32 to vector<16xi32>
        %parallel_loop3A_109 = arith.mulf %parallel_loop3A_102, %parallel_loop3A_80 : vector<16xf32>
        tpu.vector_store_idx %arg6[%parallel_loop3A_106, %parallel_loop3A_71], %parallel_loop3A_109 {add = true} : memref<4x10000xf32, #tpu.memory_space<vmem>>[vector<16xi32>, vector<16xi32>], vector<16xf32>,
        %parallel_loop3A_110 = arith.mulf %parallel_loop3A_104, %parallel_loop3A_80 : vector<16xf32>
        tpu.vector_store_idx %arg6[%parallel_loop3A_108, %parallel_loop3A_71], %parallel_loop3A_110 {add = true} : memref<4x10000xf32, #tpu.memory_space<vmem>>[vector<16xi32>, vector<16xi32>], vector<16xf32>,
      } {sc.loop_unroll_factor = 16 : i64, sc.parallel_access}
    }
    %scan3A_26 = arith.constant 25 : i32
    "tpu.region"() ({
      %run_scoped3A = tpu.sem_alloc : memref<!tpu.dma_semaphore, #tpu.memory_space<semaphore_mem>>
      %dma_start3A_29 = arith.constant 0 : i32
      %dma_start3A_30 = arith.constant 0 : i32
      %dma_start3A_31 = tpu.memref_slice %arg6[%dma_start3A_29, %dma_start3A_30] : memref<4x10000xf32, #tpu.memory_space<vmem>> -> memref<2x10000xf32, #tpu.memory_space<vmem>>
      %dma_start3A_32 = arith.constant 0 : i32
      %dma_start3A_33 = tpu.memref_slice %arg4[%mul3A_2, %dma_start3A_32] : memref<128x10000xf32, #tpu.memory_space<hbm>> -> memref<2x10000xf32, #tpu.memory_space<hbm>>
      %dma_start3A_34 = arith.constant 0 : i32
      %dma_start3A_35 = tpu.memref_slice %arg4[%mul3A_2, %dma_start3A_34] : memref<128x10000xf32, #tpu.memory_space<hbm>> -> memref<2x10000xf32, #tpu.memory_space<hbm>>
      %dma_start3A_36 = arith.constant 0 : i32
      %dma_start3A_37 = arith.constant 0 : i32
      %dma_start3A_38 = tpu.memref_slice %arg6[%dma_start3A_36, %dma_start3A_37] : memref<4x10000xf32, #tpu.memory_space<vmem>> -> memref<2x10000xf32, #tpu.memory_space<vmem>>
      tpu.enqueue_dma source(%dma_start3A_38 : memref<2x10000xf32, #tpu.memory_space<vmem>>) target(%dma_start3A_35 : memref<2x10000xf32, #tpu.memory_space<hbm>>) target_semaphore(%run_scoped3A : memref<!tpu.dma_semaphore, #tpu.memory_space<semaphore_mem>>)
      %dma_wait3A_39 = arith.constant 0 : i32
      %dma_wait3A_40 = arith.constant 0 : i32
      %dma_wait3A_41 = tpu.memref_slice %arg6[%dma_wait3A_39, %dma_wait3A_40] : memref<4x10000xf32, #tpu.memory_space<vmem>> -> memref<2x10000xf32, #tpu.memory_space<vmem>>
      %dma_wait3A_42 = arith.constant 0 : i32
      %dma_wait3A_43 = tpu.memref_slice %arg4[%mul3A_2, %dma_wait3A_42] : memref<128x10000xf32, #tpu.memory_space<hbm>> -> memref<2x10000xf32, #tpu.memory_space<hbm>>
      %dma_wait3A_44 = arith.constant 0 : i32
      %dma_wait3A_45 = tpu.memref_slice %arg4[%mul3A_2, %dma_wait3A_44] : memref<128x10000xf32, #tpu.memory_space<hbm>> -> memref<2x10000xf32, #tpu.memory_space<hbm>>
      %dma_wait3A_46 = arith.constant 0 : i32
      %dma_wait3A_47 = arith.constant 0 : i32
      %dma_wait3A_48 = tpu.memref_slice %arg6[%dma_wait3A_46, %dma_wait3A_47] : memref<4x10000xf32, #tpu.memory_space<vmem>> -> memref<2x10000xf32, #tpu.memory_space<vmem>>
      tpu.wait_dma2 semaphore(%run_scoped3A : memref<!tpu.dma_semaphore, #tpu.memory_space<semaphore_mem>>) src(%dma_wait3A_48 : memref<2x10000xf32, #tpu.memory_space<vmem>>) dst(%dma_wait3A_45 : memref<2x10000xf32, #tpu.memory_space<hbm>>)
      tpu.yield
    }) : () -> ()
    %add3A_27 = arith.constant 64 : i32
    %add3A_28 = arith.addi %add3A_27, %mul3A_2 : i32
    "tpu.region"() ({
      %run_scoped3A = tpu.sem_alloc : memref<!tpu.dma_semaphore, #tpu.memory_space<semaphore_mem>>
      %dma_start3A_29 = arith.constant 2 : i32
      %dma_start3A_30 = arith.constant 0 : i32
      %dma_start3A_31 = tpu.memref_slice %arg6[%dma_start3A_29, %dma_start3A_30] : memref<4x10000xf32, #tpu.memory_space<vmem>> -> memref<2x10000xf32, #tpu.memory_space<vmem>>
      %dma_start3A_32 = arith.constant 0 : i32
      %dma_start3A_33 = tpu.memref_slice %arg4[%add3A_28, %dma_start3A_32] : memref<128x10000xf32, #tpu.memory_space<hbm>> -> memref<2x10000xf32, #tpu.memory_space<hbm>>
      %dma_start3A_34 = arith.constant 0 : i32
      %dma_start3A_35 = tpu.memref_slice %arg4[%add3A_28, %dma_start3A_34] : memref<128x10000xf32, #tpu.memory_space<hbm>> -> memref<2x10000xf32, #tpu.memory_space<hbm>>
      %dma_start3A_36 = arith.constant 2 : i32
      %dma_start3A_37 = arith.constant 0 : i32
      %dma_start3A_38 = tpu.memref_slice %arg6[%dma_start3A_36, %dma_start3A_37] : memref<4x10000xf32, #tpu.memory_space<vmem>> -> memref<2x10000xf32, #tpu.memory_space<vmem>>
      tpu.enqueue_dma source(%dma_start3A_38 : memref<2x10000xf32, #tpu.memory_space<vmem>>) target(%dma_start3A_35 : memref<2x10000xf32, #tpu.memory_space<hbm>>) target_semaphore(%run_scoped3A : memref<!tpu.dma_semaphore, #tpu.memory_space<semaphore_mem>>)
      %dma_wait3A_39 = arith.constant 2 : i32
      %dma_wait3A_40 = arith.constant 0 : i32
      %dma_wait3A_41 = tpu.memref_slice %arg6[%dma_wait3A_39, %dma_wait3A_40] : memref<4x10000xf32, #tpu.memory_space<vmem>> -> memref<2x10000xf32, #tpu.memory_space<vmem>>
      %dma_wait3A_42 = arith.constant 0 : i32
      %dma_wait3A_43 = tpu.memref_slice %arg4[%add3A_28, %dma_wait3A_42] : memref<128x10000xf32, #tpu.memory_space<hbm>> -> memref<2x10000xf32, #tpu.memory_space<hbm>>
      %dma_wait3A_44 = arith.constant 0 : i32
      %dma_wait3A_45 = tpu.memref_slice %arg4[%add3A_28, %dma_wait3A_44] : memref<128x10000xf32, #tpu.memory_space<hbm>> -> memref<2x10000xf32, #tpu.memory_space<hbm>>
      %dma_wait3A_46 = arith.constant 2 : i32
      %dma_wait3A_47 = arith.constant 0 : i32
      %dma_wait3A_48 = tpu.memref_slice %arg6[%dma_wait3A_46, %dma_wait3A_47] : memref<4x10000xf32, #tpu.memory_space<vmem>> -> memref<2x10000xf32, #tpu.memory_space<vmem>>
      tpu.wait_dma2 semaphore(%run_scoped3A : memref<!tpu.dma_semaphore, #tpu.memory_space<semaphore_mem>>) src(%dma_wait3A_48 : memref<2x10000xf32, #tpu.memory_space<vmem>>) dst(%dma_wait3A_45 : memref<2x10000xf32, #tpu.memory_space<hbm>>)
      tpu.yield
    }) : () -> ()
    return
  }
}

module attributes {stable_mosaic.version = 14 : i64} {
  func.func @_transpose_body(%arg0: memref<128x10000xf32, #tpu.memory_space<vmem>>, %arg1: memref<10000x128xf32, #tpu.memory_space<vmem>>) attributes {dimension_semantics = [], scalar_prefetch = 0 : i64, scratch_operands = 0 : i64, tpu.core_type = #tpu.core_type<tc>} {
    %get3A = arith.constant 0 : index
    %get3A_0 = arith.constant 0 : index
    %get3A_1 = vector.load %arg0[%get3A, %get3A_0] : memref<128x10000xf32, #tpu.memory_space<vmem>>, vector<128x10000xf32>
    %transpose3A = tpu.transpose %get3A_1, [1, 0] : vector<128x10000xf32> -> vector<10000x128xf32>
    %swap3A = arith.constant 0 : index
    %swap3A_2 = arith.constant 0 : index
    %swap3A_3 = vector.load %arg1[%swap3A, %swap3A_2] : memref<10000x128xf32, #tpu.memory_space<vmem>>, vector<10000x128xf32>
    tpu.vector_store %arg1[%swap3A, %swap3A_2], %transpose3A {strides = array<i32>} : memref<10000x128xf32, #tpu.memory_space<vmem>>, vector<10000x128xf32>,
    return
  }
}

module attributes {stable_mosaic.version = 14 : i64} {
  func.func @_matmul_pack_body(%arg0: memref<128x128xf32, #tpu.memory_space<vmem>>, %arg1: memref<10000x128xf32, #tpu.memory_space<vmem>>, %arg2: memref<320000xi32, #tpu.memory_space<vmem>>, %arg3: memref<320000xi32, #tpu.memory_space<vmem>>, %arg4: memref<320000xf32, #tpu.memory_space<vmem>>, %arg5: memref<64x10000xi32, #tpu.memory_space<vmem>>, %arg6: memref<3x320000xi32, #tpu.memory_space<vmem>>) attributes {dimension_semantics = [], scalar_prefetch = 0 : i64, scratch_operands = 0 : i64, tpu.core_type = #tpu.core_type<tc>} {
    %get3A = arith.constant 0 : index
    %get3A_0 = vector.load %arg2[%get3A] : memref<320000xi32, #tpu.memory_space<vmem>>, vector<320000xi32>
    %swap3A = arith.constant 0 : index
    %swap3A_1 = arith.constant 0 : index
    %swap3A_2 = vector.load %arg6[%swap3A, %swap3A_1] : memref<3x320000xi32, #tpu.memory_space<vmem>>, vector<1x320000xi32>
    %swap3A_3 = vector.shape_cast %swap3A_2 : vector<1x320000xi32> to vector<320000xi32>
    %swap3A_4 = vector.shape_cast %get3A_0 : vector<320000xi32> to vector<1x320000xi32>
    tpu.vector_store %arg6[%swap3A, %swap3A_1], %swap3A_4 {strides = array<i32>} : memref<3x320000xi32, #tpu.memory_space<vmem>>, vector<1x320000xi32>,
    %get3A_5 = arith.constant 0 : index
    %get3A_6 = vector.load %arg3[%get3A_5] : memref<320000xi32, #tpu.memory_space<vmem>>, vector<320000xi32>
    %swap3A_7 = arith.constant 1 : index
    %swap3A_8 = arith.constant 0 : index
    %swap3A_9 = vector.load %arg6[%swap3A_7, %swap3A_8] : memref<3x320000xi32, #tpu.memory_space<vmem>>, vector<1x320000xi32>
    %swap3A_10 = vector.shape_cast %swap3A_9 : vector<1x320000xi32> to vector<320000xi32>
    %swap3A_11 = vector.shape_cast %get3A_6 : vector<320000xi32> to vector<1x320000xi32>
    tpu.vector_store %arg6[%swap3A_7, %swap3A_8], %swap3A_11 {strides = array<i32>} : memref<3x320000xi32, #tpu.memory_space<vmem>>, vector<1x320000xi32>,
    %get3A_12 = arith.constant 0 : index
    %get3A_13 = vector.load %arg4[%get3A_12] : memref<320000xf32, #tpu.memory_space<vmem>>, vector<320000xf32>
    %bitcast_convert_type3A = tpu.bitcast %get3A_13 : vector<320000xf32> -> vector<320000xi32>
    %swap3A_14 = arith.constant 2 : index
    %swap3A_15 = arith.constant 0 : index
    %swap3A_16 = vector.load %arg6[%swap3A_14, %swap3A_15] : memref<3x320000xi32, #tpu.memory_space<vmem>>, vector<1x320000xi32>
    %swap3A_17 = vector.shape_cast %swap3A_16 : vector<1x320000xi32> to vector<320000xi32>
    %swap3A_18 = vector.shape_cast %bitcast_convert_type3A : vector<320000xi32> to vector<1x320000xi32>
    tpu.vector_store %arg6[%swap3A_14, %swap3A_15], %swap3A_18 {strides = array<i32>} : memref<3x320000xi32, #tpu.memory_space<vmem>>, vector<1x320000xi32>,
    %get3A_19 = arith.constant 0 : index
    %get3A_20 = arith.constant 0 : index
    %get3A_21 = vector.load %arg0[%get3A_19, %get3A_20] : memref<128x128xf32, #tpu.memory_space<vmem>>, vector<128x128xf32>
    %get3A_22 = arith.constant 0 : index
    %get3A_23 = arith.constant 0 : index
    %get3A_24 = vector.load %arg1[%get3A_22, %get3A_23] : memref<10000x128xf32, #tpu.memory_space<vmem>>, vector<10000x128xf32>
    %dot_general3A = arith.constant dense<0.000000e+00> : vector<128x10000xf32>
    %dot_general3A_25 = tpu.matmul %get3A_21, %get3A_24, %dot_general3A {dimension_numbers = #tpu.dot_dimension_numbers<[0], [1], [1], [0], [0, 1, 1, 0], [], []>, transpose_lhs_hint = false} : vector<128x128xf32>, vector<10000x128xf32>, vector<128x10000xf32> -> vector<128x10000xf32>
    %bitcast_convert_type3A_26 = tpu.bitcast %dot_general3A_25 : vector<128x10000xf32> -> vector<128x10000xi32>
    %add3A = arith.constant 32767 : i32
    %add3A_27 = vector.broadcast %add3A : i32 to vector<128x10000xi32>
    %add3A_28 = arith.addi %bitcast_convert_type3A_26, %add3A_27 : vector<128x10000xi32>
    %shift_right_logical3A = arith.constant 16 : i32
    %shift_right_logical3A_29 = vector.broadcast %shift_right_logical3A : i32 to vector<128x10000xi32>
    %shift_right_logical3A_30 = arith.shrui %bitcast_convert_type3A_26, %shift_right_logical3A_29 : vector<128x10000xi32>
    %and3A = arith.constant 1 : i32
    %and3A_31 = vector.broadcast %and3A : i32 to vector<128x10000xi32>
    %and3A_32 = arith.andi %shift_right_logical3A_30, %and3A_31 : vector<128x10000xi32>
    %add3A_33 = arith.addi %add3A_28, %and3A_32 : vector<128x10000xi32>
    %slice3A = vector.extract_strided_slice %add3A_33 {offsets = [0, 0], sizes = [64, 10000], strides = [1, 1]} : vector<128x10000xi32> to vector<64x10000xi32>
    %shift_right_logical3A_34 = arith.constant 16 : i32
    %shift_right_logical3A_35 = vector.broadcast %shift_right_logical3A_34 : i32 to vector<64x10000xi32>
    %shift_right_logical3A_36 = arith.shrui %slice3A, %shift_right_logical3A_35 : vector<64x10000xi32>
    %slice3A_37 = vector.extract_strided_slice %add3A_33 {offsets = [64, 0], sizes = [64, 10000], strides = [1, 1]} : vector<128x10000xi32> to vector<64x10000xi32>
    %and3A_38 = arith.constant -65536 : i32
    %and3A_39 = vector.broadcast %and3A_38 : i32 to vector<64x10000xi32>
    %and3A_40 = arith.andi %slice3A_37, %and3A_39 : vector<64x10000xi32>
    %or3A = arith.ori %and3A_40, %shift_right_logical3A_36 : vector<64x10000xi32>
    %swap3A_41 = arith.constant 0 : index
    %swap3A_42 = arith.constant 0 : index
    %swap3A_43 = vector.load %arg5[%swap3A_41, %swap3A_42] : memref<64x10000xi32, #tpu.memory_space<vmem>>, vector<64x10000xi32>
    tpu.vector_store %arg5[%swap3A_41, %swap3A_42], %or3A {strides = array<i32>} : memref<64x10000xi32, #tpu.memory_space<vmem>>, vector<64x10000xi32>,
    return
  }
}

</mosaic_0001>

<sc_bundles>
// kernel: kernel.5.cloned.1.call-start
scs
__scs_entry_jumppad:
0x0: {  	(pc) =	sbr.rel $0x88, $3  }
0x1: {  	(tag) =	ssettag $0x0;
	lr =	simm.s32 $0x1  }
0x2: {  	[smem:$0x3F9C] =	sst lr;
	_ =	strace $0xD0000000  }
0x3: {  	_ = 	snop  }
0x4: {  	_ = 	snop  }
0x5: {  	_ = 	snop  }
0x6: {  	_ = 	snop  }
0x7: {  	_ = 	snop  }
__scs_overlays_trampoline_lowered:
0x8: {  	[smem:$0x3FAB] =	sst s0  }
0x9: {  	[smem:$0x3FAC] =	sst s1  }
0xa: {  	[smem:$0x3FAD] =	sst s2  }
0xb: {  	[smem:$0x3FAE] =	sst s3  }
0xc: {  	[smem:$0x3FAF] =	sst s4  }
0xd: {  	[smem:$0x3FB0] =	sst s5  }
0xe: {  	[smem:$0x3FB1] =	sst s6  }
0xf: {  	[smem:$0x3FB2] =	sst s7  }
0x10: {  	[smem:$0x3FB3] =	sst s8  }
0x11: {  	[smem:$0x3FB4] =	sst s9;
	s0 =	simm.s32 @!p0 $0x0  }
0x12: {  	s1 =	sld [smem:$0x3F9A];
	s0 =	simm.s32 @p0 $0x1  }
0x13: {  	[smem:$0x3FB5] =	sst s0;
	s0 =	simm.s32 @!p1 $0x0  }
0x14: {  	s2 =	sld [smem:$0x3F99];
	s0 =	simm.s32 @p1 $0x1  }
0x15: {  	[smem:$0x3FB6] =	sst s0;
	s0 =	simm.s32 @!p2 $0x0  }
0x16: {  	s3 =	sld [smem:$0x3FDB];
	s0 =	simm.s32 @p2 $0x1  }
0x17: {  	s4 =	simm.s32 $0x1BF5;
	[smem:$0x3FB8] =	sst s0  }
0x18: {  	s0 =	sld [smem:$0x3F9B];
	_ =	swait.ge [sflag:s4], $0x0  }
0x19: {  	s7 =	sld [smem:$0x3F9C]  }
0x1a: {  	s8 =	sadd.s32 $0xFFFFE003, lr  }
0x1b: {  	s9 =	sadd.s32 $0xFFFFFEF7, lr;
	s5 =	simm.s32 $0xFFFFFFFF;
	p2 =	slt.u32 s8, $0xFFFFF086  }
0x1c: {  	p1 =	slt.u32 s9, $0xF7A;
	s5 =	simm.s32 @!p2 $0x0  }
0x1d: {  	s5 =	simm.s32 @p1 $0x1;
	p0 =	seq.s32 s7, s2  }
0x1e: {  	s7 =	smul.u32 @!p0 $0xF7A, s2;
	p2 =	seq.s32 @!p0 s5, $0x0  }
0x1f: {  	s9 =	smul.u32 $0xF7A, s1;
	s8 =	simm.s32 @!p0 $0x1BF5;
	p2 =	por !p2, p0  }
0x20: {  	[sflag:s8] =	ssyncset.s32 @!p0 $0xFFFFF086;
	s6 =	sadd.s32 @!p0 s3, s7;
	s7 =	simm.s32 @!p0 $0x108  }
0x21: {  	s3 =	sadd.s32 s3, s9;
	s6 =	sadd.s32 @!p0 $0x88, s6;
	s7 =	simm.s32 @p2 $0x1082  }
0x22: {  	[simem:s7], [sflag:s8] =	dma.local @!p0 [hbm:s6], $0xF7A  }
0x23: {  	s9 =	sor.u32 $0xD0000000, s2;
	s6 =	simm.s32 $0x108;
	_ =	swait.ge @!p0 [sflag:s8], $0x0  }
0x24: {  	s3 =	sadd.s32 $0x88, s3;
	s6 =	simm.s32 @!p1 $0x1082;
	[sflag:s4] =	ssyncset.s32 $0xFFFFF086  }
0x25: {  	[simem:s6], [sflag:s4] =	dma.local [hbm:s3], $0xF7A  }
0x26: {  	[smem:$0x3F9C] =	sst s1;
	(tag) =	ssettag s2;
	_ =	strace s9  }
0x27: {  	s1 =	sld [smem:$0x3FAC]  }
0x28: {  	s2 =	sld [smem:$0x3FAD]  }
0x29: {  	s4 =	sld [smem:$0x3FAF]  }
0x2a: {  	p0 =	seq.s32 s5, $0x0;
	s5 =	sld [smem:$0x3FB0]  }
0x2b: {  	s6 =	sld [smem:$0x3FB1]  }
0x2c: {  	s7 =	sld [smem:$0x3FB2]  }
0x2d: {  	s3 =	simm.s32 $0x108;
	s8 =	sld [smem:$0x3FB3]  }
0x2e: {  	s3 =	simm.s32 @!p0 $0x1082;
	s9 =	sld [smem:$0x3FB4]  }
0x2f: {  	lr =	sadd.s32 s0, s3;
	s0 =	sld [smem:$0x3FAB]  }
0x30: {  	s3 =	sld [smem:$0x3FAE]  }
0x31: {  	[smem:$0x3FB7] =	sst s10  }
0x32: {  	s10 =	sld [smem:$0x3FB5];
	_ =	sdelay $0x3  }
0x33: {  	p0 =	seq.s32 s10, $0x1;
	s10 =	sld [smem:$0x3FB7];
	_ =	sdelay $0x3  }
0x34: {  	[smem:$0x3FB7] =	sst s10  }
0x35: {  	s10 =	sld [smem:$0x3FB6];
	_ =	sdelay $0x3  }
0x36: {  	p1 =	seq.s32 s10, $0x1;
	s10 =	sld [smem:$0x3FB7];
	_ =	sdelay $0x3  }
0x37: {  	[smem:$0x3FB7] =	sst s10  }
0x38: {  	s10 =	sld [smem:$0x3FB8]  }
0x39: {  	_ = 	snop;
	(pc) =	sbr.ind lr, $3  }
0x3a: {  	_ = 	snop  }
0x3b: {  	_ = 	snop  }
0x3c: {  	p2 =	seq.s32 s10, $0x1;
	s10 =	sld [smem:$0x3FB7]  }
0x3d: {  	_ =	shalt  }
0x3e: {  	_ =	shalt  }
0x3f: {  	_ =	shalt  }
0x40: {  	_ =	shalt  }
0x41: {  	_ =	shalt  }
0x42: {  	_ =	shalt  }
0x43: {  	_ =	shalt  }
0x44: {  	_ =	shalt  }
0x45: {  	_ =	shalt  }
0x46: {  	_ =	shalt  }
0x47: {  	_ =	shalt  }
0x48: {  	_ =	shalt  }
0x49: {  	_ =	shalt  }
0x4a: {  	_ =	shalt  }
0x4b: {  	_ =	shalt  }
0x4c: {  	_ =	shalt  }
0x4d: {  	_ =	shalt  }
0x4e: {  	_ =	shalt  }
0x4f: {  	_ =	shalt  }
0x50: {  	_ =	shalt  }
0x51: {  	_ =	shalt  }
0x52: {  	_ =	shalt  }
0x53: {  	_ =	shalt  }
0x54: {  	_ =	shalt  }
0x55: {  	_ =	shalt  }
0x56: {  	_ =	shalt  }
0x57: {  	_ =	shalt  }
0x58: {  	_ =	shalt  }
0x59: {  	_ =	shalt  }
0x5a: {  	_ =	shalt  }
0x5b: {  	_ =	shalt  }
0x5c: {  	_ =	shalt  }
0x5d: {  	_ =	shalt  }
0x5e: {  	_ =	shalt  }
0x5f: {  	_ =	shalt  }
0x60: {  	_ =	shalt  }
0x61: {  	_ =	shalt  }
0x62: {  	_ =	shalt  }
0x63: {  	_ =	shalt  }
0x64: {  	_ =	shalt  }
0x65: {  	_ =	shalt  }
0x66: {  	_ =	shalt  }
0x67: {  	_ =	shalt  }
0x68: {  	_ =	shalt  }
0x69: {  	_ =	shalt  }
0x6a: {  	_ =	shalt  }
0x6b: {  	_ =	shalt  }
0x6c: {  	_ =	shalt  }
0x6d: {  	_ =	shalt  }
0x6e: {  	_ =	shalt  }
0x6f: {  	_ =	shalt  }
0x70: {  	_ =	shalt  }
0x71: {  	_ =	shalt  }
0x72: {  	_ =	shalt  }
0x73: {  	_ =	shalt  }
0x74: {  	_ =	shalt  }
0x75: {  	_ =	shalt  }
0x76: {  	_ =	shalt  }
0x77: {  	_ =	shalt  }
0x78: {  	_ =	shalt  }
0x79: {  	_ =	shalt  }
0x7a: {  	_ =	shalt  }
0x7b: {  	_ =	shalt  }
0x7c: {  	_ =	shalt  }
0x7d: {  	_ =	shalt  }
0x7e: {  	_ =	shalt  }
0x7f: {  	_ =	shalt  }
0x80: {  	_ =	shalt  }
0x81: {  	_ =	shalt  }
0x82: {  	_ =	shalt  }
0x83: {  	_ =	shalt  }
0x84: {  	_ =	shalt  }
0x85: {  	_ =	shalt  }
0x86: {  	_ =	shalt  }
0x87: {  	_ =	shalt  }
.Lfunc_end0:
.L_simem_size_0:
called_computation_lowered:
.L_overlay_start_0:
0x88: {  	s2 =	sld [smem:$0x3FD9]  }
0x89: {  	s3 =	sld [smem:$0x3FFE];
	_ =	sdelay $0x1  }
0x8a: {  	s1 =	srdreg.scid  }
0x8b: {  	s0 =	sand.u32 $0x1, s1  }
0x8c: {  	s17 =	sshll.u32 s0, $0xA;
	s2 =	sadd.s32 s3, s2  }
0x8d: {  	s2 =	sadd.s32 s2, s17  }
0x8e: {  	[smem:$0x3FC3] =	sst s2  }
0x8f: {  	_ = 	snop  }
0x90: {  	s2 =	sld [smem:$0x3FD0];
	(tm) =	ssettm $0x1  }
0x91: {  	s18 =	sld [smem:$0x3FFB];
	_ =	sdelay $0x3  }
0x92: {  	_ =	strace s18  }
0x93: {  	s3 =	sld [smem:$0x3FFC];
	_ =	sdelay $0x3  }
0x94: {  	_ =	strace s3  }
0x95: {  	s3 =	sld [smem:$0x3FFD];
	_ =	sdelay $0x3  }
0x96: {  	_ =	strace s3  }
0x97: {  	_ =	strace $0x8FFFFFFF  }
0x98: {  	s19 =	sld [smem:$0x3FDB];
	_ =	sdelay $0x1  }
0x99: {  	s4 =	simm.s32 $_scs_section_size  }
0x9a: {  	s5 =	simm.s32 $_size__tile_overlayer_lowered;
	s6 =	simm.s32 $_tile_overlayer_lowered  }
0x9b: {  	s22 =	simm.s32 $0x1BFF;
	s21 =	sshll.u32 s6, $0x1;
	s3 =	sadd.s32 s4, s19  }
0x9c: {  	s7 =	simm.s32 $0x0;
	s20 =	sshll.u32 s5, $0x1;
	s5 =	sadd.s32 s21, s3  }
0x9d: {  	[timem:s7], [sflag:s22] =	dma.local [hbm:s5], s20  }
0x9e: {  	_ =	swait.ge [sflag:s22], s20  }
0x9f: {  	s4 =	ssub.s32 $0x0, s20;
	[sflag:s22] =	ssyncset.done $0x0  }
0xa0: {  	[sflag:s22] =	ssyncadd.s32 s4;
	_ =	sdelay $0x1  }
0xa1: {  	s23 =	simm.s32 $0x1B8B  }
0xa2: {  	_ =	swait.ge [sflag:s23], $0x1  }
0xa3: {  	[sflag:s23] =	ssyncset.done $0x0  }
0xa4: {  	s25 =	simm.s32 $0x1B8E;
	s24 =	sld [smem:$0x3FFE];
	[sflag:s23] =	ssyncadd.s32 $0xFFFFFFFF  }
0xa5: {  	s26 =	simm.s32 $execute0_lowered;
	[smem:$0x3FD2] =	sst s25  }
0xa6: {  	s5 =	sshll.u32 s26, $0x1;
	_ =	strace $0x80000046;
	[dreg:$0x1] =	wrdreg $0xFFFFFFFF  }
0xa7: {  	s28 =	simm.s32 $_size_execute0_lowered;
	s3 =	sadd.s32 s3, s5;
	[dreg:$0x0] =	wrdreg $0x0  }
0xa8: {  	s5 =	sshll.u32 s28, $0x1;
	[dreg:$0x2] =	wrdreg s3  }
0xa9: {  	[dreg:$0x3] =	wrdreg s5  }
0xaa: {  	[dreg:$0x4] =	wrdreg $0xC0  }
0xab: {  	_ =	task [dreg:s7], $0x5FFFF  }
0xac: {  	[dreg:$0x1] =	wrdreg $0xFFFFFFFF  }
0xad: {  	[dreg:$0x0] =	wrdreg $0x60  }
0xae: {  	[dreg:$0x2] =	wrdreg s24  }
0xaf: {  	[dreg:$0x3] =	wrdreg s2  }
0xb0: {  	[dreg:$0x4] =	wrdreg $0x9  }
0xb1: {  	_ =	task.clear_ibuf [dreg:s7], $0x5FFFF;
	_ =	strace $0x90000046  }
0xb2: {  	s29 =	simm.s32 $0x9;
	_ =	strace $0x80000048  }
0xb3: {  	_ =	swait.ge [sflag:s29], $0x1  }
0xb4: {  	[sflag:s29] =	ssyncadd.s32 $0xFFFFFFFF  }
0xb5: {  	_ =	strace $0x90000048  }
0xb6: {  	_ =	sfence  }
0xb7: {  	s30 =	sld [smem:$0x0];
	_ =	sdelay $0x2  }
0xb8: {  	s31 =	sshll.u32 s1, $0xD;
	s1 =	sshrl.u32 s1, $0x2  }
0xb9: {  	s3 =	sand.u32 $0x4000, s31;
	s1 =	sadd.s32 s1, s30  }
0xba: {  	s0 =	sor.u32 s3, s0;
	s1 =	sshll.u32 s1, $0x11  }
0xbb: {  	s0 =	sor.u32 s1, s0  }
0xbc: {  	s0 =	sadd.s32 $0x8F2B, s0  }
0xbd: {  	[sflag:s0] =	ssyncadd.remote.s32 $0x1  }
0xbe: {  	_ =	sfence.sel $0xFFFF  }
0xbf: {  	[dreg:$0x0] =	wrdreg $0xFFFFFFFF;
	(pc) =	sbr.abs _section_cstart, $3  }
0xc0: {  	[dreg:$0x1] =	wrdreg $0xFFFFFFFF  }
0xc1: {  	_ =	task.clear_ibuf [dreg:s7], $0x2FFFF;
	_ =	strace $0x9FFFFFFF  }
0xc2: {  	(tm) =	ssettm $0x7FFFFFFF  }
0xc3: {  	_ =	shalt  }
tec
execute0_lowered:
.L_overlay_start_1:
0x0: {  	(tag) =	ssettag $0x1  }
0x1: {  	s1 =	srdreg.scid  }
0x2: {  	s0 =	stileid.u32;
	s5 =	rddreg [dreg:$0x0]  }
0x3: {  	s3 =	simm.s32 $0x0;
	s11 =	simm.s32 $0x3;
	s12 =	simm.s32 $0x1  }
0x4: {  	s13 =	simm.s32 $0x15100;
	s14 =	simm.s32 $0x4F00;
	s4 =	sand.u32 $0x1, s1  }
0x5: {  	s15 =	simm.s32 $0x2;
	s2 =	sshll.u32 s0, $0x1;
	s1 =	sshll.u32 s4, $0x5  }
0x6: {  	s16 =	simm.s32 $0x4;
	s17 =	simm.s32 $0x0;
	s1 =	sor.u32 s2, s1  }
0x7: {  	s31 =	sshll.u32 s0, $0x8;
	[smem:$0x7FF] =	sst s3;
	s1 =	sshrl.u32 s1, $0x3  }
0x8: {  	s10 =	sadd.s32 $0x15200, s5;
	s4 =	ssub.s32 $0x2, s4;
	s6 =	smul.u32 $0x13C00, s1  }
0x9: {  	s7 =	sand.u32 $0x300, s31;
	s2 =	rddreg [dreg:$0x1];
	s9 =	sshrl.u32 s4, $0x1  }
0xa: {  	s9 =	ssub.s32 s4, s9;
	s1 =	rddreg [dreg:$0x2];
	s6 =	sor.u32 s7, s6  }
0xb: {  	_ =	strace $0x80000047;
	s7 =	sshrl.u32 s6, $0x3;
	s6 =	sadd.s32 $0x9E000, s6  }
0xc: {  	s8 =	sadd.s32 s7, s5;
	s5 =	sadd.s32 s10, s7;
	s6 =	sshrl.u32 s6, $0x3  }
0xd: {  	s7 =	smax.u32 s9, $0x1;
	s9 =	simm.s32 $0x100;
	s4 =	sadd.s32 $0x1600, s8  }
0xe: {  	v0 =	vimm.f32 $0.0e+00;
	s6 =	sadd.s32 s10, s6;
	s8 =	simm.s32 $0xED00;
	s10 =	simm.s32 $0x400  }
.LBB2_1:
0xf: {  	[tilespmem:s8], [sflag:$0x1] =	stream.linear.gather [hbm4b:s2+s3], $0x6400, $0x38;
	[tilespmem:$0x1B500] =	vst v63  }
0x10: {  	s18 =	simm.s32 $0x0  }
0x11: {  	s19 =	sand.u32 $0xFE00, s3;
	s18 =	sand.u32 $0x70, s18  }
0x12: {  	[tilespmem:s3], [sflag:$0x3] =	stream.strided.gather [hbm4b:s4+s9], $0x4F00, s10, s9, $0x38;
	[tilespmem:$0x1B500] =	vst v63  }
0x13: {  	s18 =	sor.u32 s18, s19  }
0x14: {  	[tilespmem:s18+$0x5000] =	vst v0  }
0x15: {  	s21 =	simm.s32 $0x10;
	s20 =	simm.s32 $0x40;
	[tilespmem:s18+$0x4F80] =	vst v0  }
0x16: {  	s20 =	sand.u32 $0x1FE00, s20;
	s19 =	sand.u32 $0x70, s21;
	[tilespmem:s18+$0x4F00] =	vst v0  }
0x17: {  	[tilespmem:s18+$0x5080] =	vst v0;
	s22 =	sor.u32 s19, s20  }
0x18: {  	[tilespmem:s22+$0x5080] =	vst v0  }
0x19: {  	s23 =	simm.s32 $0x20;
	s24 =	simm.s32 $0x80;
	[tilespmem:s22+$0x4F80] =	vst v0  }
0x1a: {  	s19 =	sand.u32 $0x70, s23;
	s20 =	sand.u32 $0x1FE00, s24;
	[tilespmem:s22+$0x4F00] =	vst v0  }
0x1b: {  	[tilespmem:s22+$0x5000] =	vst v0;
	s25 =	sor.u32 s19, s20  }
0x1c: {  	[tilespmem:s25+$0x4F80] =	vst v0  }
0x1d: {  	s26 =	simm.s32 $0x30;
	s28 =	simm.s32 $0xC0;
	[tilespmem:s25+$0x5080] =	vst v0  }
0x1e: {  	s19 =	sand.u32 $0x70, s26;
	s20 =	sand.u32 $0x1FE00, s28;
	[tilespmem:s25+$0x5000] =	vst v0  }
0x1f: {  	[tilespmem:s25+$0x4F00] =	vst v0;
	s29 =	sor.u32 s19, s20  }
0x20: {  	[tilespmem:s29+$0x5080] =	vst v0  }
0x21: {  	s30 =	simm.s32 $0x40;
	s31 =	simm.s32 $0x100;
	[tilespmem:s29+$0x4F80] =	vst v0  }
0x22: {  	s19 =	sand.u32 $0x70, s30;
	s20 =	sand.u32 $0x1FE00, s31;
	[tilespmem:s29+$0x4F00] =	vst v0  }
0x23: {  	[tilespmem:s29+$0x5000] =	vst v0;
	s20 =	sor.u32 s19, s20  }
0x24: {  	s18 =	simm.s32 $0x140;
	s19 =	simm.s32 $0x90;
	[tilespmem:s20+$0x5080] =	vst v0  }
.LBB2_2:
0x25: {  	s21 =	sadd.s32 $0xFFFFFFC0, s19  }
0x26: {  	p0 =	sne.s32 s18, $0x9B00;
	[tilespmem:s20+$0x4F80] =	vst v0;
	s22 =	smov.u32 s18;
	s18 =	sadd.s32 $0x140, s18  }
0x27: {  	s21 =	sand.u32 $0x70, s21;
	s23 =	sand.u32 $0xFE00, s22;
	[tilespmem:s20+$0x4F00] =	vst v0  }
0x28: {  	s21 =	sor.u32 s21, s23;
	[tilespmem:s20+$0x5000] =	vst v0  }
0x29: {  	[tilespmem:s21+$0x5000] =	vst v0  }
0x2a: {  	s20 =	sadd.s32 $0xFFFFFFD0, s19;
	s23 =	sadd.s32 $0x40, s22;
	[tilespmem:s21+$0x4F80] =	vst v0  }
0x2b: {  	s20 =	sand.u32 $0x70, s20;
	s23 =	sand.u32 $0x1FE00, s23;
	[tilespmem:s21+$0x4F00] =	vst v0  }
0x2c: {  	s20 =	sor.u32 s20, s23;
	[tilespmem:s21+$0x5080] =	vst v0  }
0x2d: {  	[tilespmem:s20+$0x5080] =	vst v0  }
0x2e: {  	s23 =	sadd.s32 $0x80, s22;
	s21 =	sadd.s32 $0xFFFFFFE0, s19;
	[tilespmem:s20+$0x4F80] =	vst v0  }
0x2f: {  	s23 =	sand.u32 $0x1FE00, s23;
	s21 =	sand.u32 $0x70, s21;
	[tilespmem:s20+$0x4F00] =	vst v0  }
0x30: {  	[tilespmem:s20+$0x5000] =	vst v0;
	s20 =	sor.u32 s21, s23  }
0x31: {  	[tilespmem:s20+$0x4F80] =	vst v0  }
0x32: {  	s21 =	sadd.s32 $0xFFFFFFF0, s19;
	s23 =	sadd.s32 $0xC0, s22;
	[tilespmem:s20+$0x5080] =	vst v0  }
0x33: {  	s21 =	sand.u32 $0x70, s21;
	s23 =	sand.u32 $0x1FE00, s23;
	[tilespmem:s20+$0x5000] =	vst v0  }
0x34: {  	[tilespmem:s20+$0x4F00] =	vst v0;
	s20 =	sor.u32 s21, s23  }
.Ltmp0:
0x35: {  	[tilespmem:s20+$0x5080] =	vst v0;
	(pc) =	sbr.rel @p0 .LBB2_2-.Ltmp0, $4  }
0x36: {  	s21 =	sadd.s32 $0x100, s22;
	[tilespmem:s20+$0x4F80] =	vst v0  }
0x37: {  	s22 =	sand.u32 $0x70, s19;
	s21 =	sand.u32 $0x1FE00, s21;
	[tilespmem:s20+$0x4F00] =	vst v0  }
0x38: {  	[tilespmem:s20+$0x5000] =	vst v0;
	s20 =	sor.u32 s22, s21  }
0x39: {  	s19 =	sadd.s32 $0x50, s19;
	[tilespmem:s20+$0x5080] =	vst v0  }
0x3a: {  	[tilespmem:s20+$0x4F80] =	vst v0  }
0x3b: {  	[tilespmem:s20+$0x4F00] =	vst v0  }
0x3c: {  	[tilespmem:s20+$0x5000] =	vst v0  }
0x3d: {  	_ =	swait.ge [sflag:s11], $0x4F00  }
0x3e: {  	[sflag:s11] =	ssyncset.done $0x0  }
0x3f: {  	s18 =	simm.s32 $0x0;
	[sflag:s11] =	ssyncadd.s32 $0xFFFFB100  }
.LBB2_4:
0x40: {  	s19 =	smul.u32 $0xC800, s18;
	_ =	sdelay $0x1  }
0x41: {  	_ =	swait.ge [sflag:s12], $0x6400;
	s20 =	sshrl.u32 s19, $0x3  }
0x42: {  	[sflag:s12] =	ssyncset.done $0x0;
	s20 =	sadd.s32 s2, s20  }
0x43: {  	[sflag:s12] =	ssyncadd.s32 $0xFFFF9C00;
	s20 =	sadd.s32 $0xC80, s20  }
0x44: {  	[tilespmem:s13], [sflag:$0x2] =	stream.linear.gather [hbm4b:s20+s3], $0x6400, $0x38;
	[tilespmem:$0x1B500] =	vst v63  }
0x45: {  	s21 =	simm.s32 $0xEF00;
	s20 =	simm.s32 $0xFFFFFFF0  }
.LBB2_5:
0x46: {  	v1 =	vld [tilespmem:s21+$0xFFFFFE80]  }
0x47: {  	v3 =	vld [tilespmem:s21+$0xFFFFFF00]  }
0x48: {  	v5 =	vld [tilespmem:s21+$0xFFFFFE90]  }
0x49: {  	v9 =	vld [tilespmem:s21+$0xFFFFFEA0]  }
0x4a: {  	v26 =	vld [tilespmem:s21+$0xFFFFFE10]  }
0x4b: {  	v30 =	vld [tilespmem:s21+$0xFFFFFF10];
	v2 =	vshll.u32 v1, $0x1  }
0x4c: {  	v31 =	vld [tilespmem:s21+$0xFFFFFE20];
	v1 =	vand.u32 $0x7F, v1;
	v2 =	vand.u32 $0xFFFFFF00, v2  }
0x4d: {  	v11 =	vld [tilespmem:s21+$0xFFFFFEB0];
	v1 =	vor.u32 v1, v2  }
0x4e: {  	v2 =	vld [tilespmem:s21+$0xFFFFFE00]  }
0x4f: {  	v16 =	vld [tilespmem:s21+$0xFFFFFF20]  }
0x50: {  	v38 =	vld [tilespmem:s21+$0xFFFFFE30]  }
0x51: {  	v45 =	vld [tilespmem:s21+$0xFFFFFF30]  }
0x52: {  	v8 =	vshll.u32 v5, $0x1;
	v4 =	vld.idx.msk [tilespmem:v1+s3+$0x0], $0xffff  }
0x53: {  	v49 =	vld [tilespmem:s21+$0xFFFFFEC0];
	v5 =	vand.u32 $0x7F, v5;
	v8 =	vand.u32 $0xFFFFFF00, v8;
	v6 =	vshll.u32 v2, $0x2  }
0x54: {  	v53 =	vld [tilespmem:s21+$0xFFFFFED0];
	v5 =	vor.u32 v5, v8;
	v2 =	vand.u32 $0x7F, v2;
	v6 =	vand.u32 $0xFFFFFE00, v6  }
0x55: {  	v56 =	vld [tilespmem:s21+$0xFFFFFE40];
	v2 =	vor.u32 v2, v6  }
0x56: {  	v59 =	vld [tilespmem:s21+$0xFFFFFEE0];
	v7 =	vor.u32 $0x100, v2  }
0x57: {  	v63 =	vld [tilespmem:s21+$0xFFFFFF40];
	v25 =	vshll.u32 v4, $0x10  }
0x58: {  	v21 =	vld [tilespmem:s21+$0xFFFFFE50];
	v4 =	vand.u32 $0xFFFF0000, v4;
	v6 =	vmul.f32 v25, v3  }
0x59: {  	v27 =	vshll.u32 v9, $0x1;
	v1 =	vor.u32 $0x80, v1;
	v28 =	vld.idx.msk [tilespmem:v5+s3+$0x0], $0xffff;
	v4 =	vmul.f32 v4, v3  }
0x5a: {  	v29 =	vand.u32 $0x7F, v9;
	v10 =	vshll.u32 v26, $0x2;
	[tilespmem:v2+s14+$0x0] =	vst.idx.add.f32.msk $0xffff, v6;
	v6 =	vand.u32 $0xFFFFFF00, v27  }
0x5b: {  	v10 =	vand.u32 $0xFFFFFE00, v10;
	[tilespmem:v7+s14+$0x0] =	vst.idx.add.f32.msk $0xffff, v4;
	v6 =	vor.u32 v29, v6;
	v4 =	vand.u32 $0x7F, v26  }
0x5c: {  	v24 =	vld [tilespmem:s21+$0xFFFFFF50];
	v18 =	vshll.u32 v11, $0x1;
	v4 =	vor.u32 v4, v10  }
0x5d: {  	v23 =	vshll.u32 v59, $0x1;
	v9 =	vand.u32 $0x7F, v59;
	v59 =	vld [tilespmem:s21+$0x100];
	v15 =	vor.u32 $0x100, v4  }
0x5e: {  	v35 =	vand.u32 $0x7F, v11;
	v5 =	vor.u32 $0x80, v5;
	v14 =	vshll.u32 v28, $0x10;
	v1 =	vld.idx.msk [tilespmem:v1+s3+$0x0], $0xffff  }
0x5f: {  	v36 =	vand.u32 $0xFFFFFF00, v18;
	v33 =	vmul.f32 v14, v30;
	v7 =	vand.u32 $0xFFFF0000, v28;
	v28 =	vld [tilespmem:s21+$0xFFFFFE60]  }
0x60: {  	v7 =	vmul.f32 v7, v30;
	v10 =	vor.u32 v35, v36;
	v34 =	vld.idx.msk [tilespmem:v6+s3+$0x0], $0xffff  }
0x61: {  	v17 =	vshll.u32 v31, $0x2;
	v12 =	vor.u32 $0x80, v2;
	[tilespmem:v4+s14+$0x0] =	vst.idx.add.f32.msk $0xffff, v33  }
0x62: {  	v17 =	vand.u32 $0xFFFFFE00, v17;
	v8 =	vand.u32 $0x7F, v31;
	v2 =	vor.u32 $0x180, v2;
	[tilespmem:v15+s14+$0x0] =	vst.idx.add.f32.msk $0xffff, v7  }
0x63: {  	v8 =	vor.u32 v8, v17;
	v13 =	vshll.u32 v1, $0x10;
	v5 =	vld.idx.msk [tilespmem:v5+s3+$0x0], $0xffff  }
0x64: {  	v40 =	vor.u32 $0x100, v8;
	v35 =	vld [tilespmem:s21+$0xFFFFFEF0];
	v1 =	vand.u32 $0xFFFF0000, v1;
	v32 =	vmul.f32 v13, v3  }
0x65: {  	v6 =	vor.u32 $0x80, v6;
	v43 =	vld.idx.msk [tilespmem:v10+s3+$0x0], $0xffff;
	v1 =	vmul.f32 v1, v3;
	v37 =	vshll.u32 v34, $0x10  }
0x66: {  	v44 =	vor.u32 $0x80, v4;
	[tilespmem:v12+s14+$0x0] =	vst.idx.add.f32.msk $0xffff, v32;
	v41 =	vand.u32 $0xFFFF0000, v34;
	v39 =	vmul.f32 v37, v16  }
0x67: {  	v46 =	vshll.u32 v38, $0x2;
	v4 =	vor.u32 $0x180, v4;
	[tilespmem:v2+s14+$0x0] =	vst.idx.add.f32.msk $0xffff, v1;
	v42 =	vmul.f32 v41, v16  }
0x68: {  	v47 =	vand.u32 $0x7F, v38;
	v48 =	vand.u32 $0xFFFFFE00, v46;
	[tilespmem:v8+s14+$0x0] =	vst.idx.add.f32.msk $0xffff, v39;
	v3 =	vshll.u32 v5, $0x10  }
0x69: {  	v7 =	vor.u32 v47, v48;
	v5 =	vand.u32 $0xFFFF0000, v5;
	[tilespmem:v40+s14+$0x0] =	vst.idx.add.f32.msk $0xffff, v42;
	v3 =	vmul.f32 v3, v30  }
0x6a: {  	v50 =	vor.u32 $0x100, v7;
	v1 =	vmul.f32 v5, v30;
	v6 =	vld.idx.msk [tilespmem:v6+s3+$0x0], $0xffff  }
0x6b: {  	v2 =	vshll.u32 v43, $0x10;
	[tilespmem:v44+s14+$0x0] =	vst.idx.add.f32.msk $0xffff, v3;
	v3 =	vor.u32 $0x80, v10  }
0x6c: {  	v2 =	vmul.f32 v2, v45;
	[tilespmem:v4+s14+$0x0] =	vst.idx.add.f32.msk $0xffff, v1;
	v1 =	vand.u32 $0xFFFF0000, v43  }
0x6d: {  	v51 =	vor.u32 $0x80, v8;
	v47 =	vld [tilespmem:s21+$0xFFFFFE70];
	v1 =	vmul.f32 v1, v45  }
0x6e: {  	v52 =	vshll.u32 v49, $0x1;
	v58 =	vshll.u32 v53, $0x1;
	v20 =	vshll.u32 v56, $0x2;
	[tilespmem:v7+s14+$0x0] =	vst.idx.add.f32.msk $0xffff, v2  }
0x6f: {  	v54 =	vand.u32 $0xFFFFFF00, v52;
	v8 =	vor.u32 $0x180, v8;
	v2 =	vshll.u32 v6, $0x10;
	[tilespmem:v50+s14+$0x0] =	vst.idx.add.f32.msk $0xffff, v1  }
0x70: {  	v29 =	vshll.u32 v21, $0x2;
	v1 =	vand.u32 $0x7F, v49;
	v2 =	vmul.f32 v2, v16;
	v3 =	vld.idx.msk [tilespmem:v3+s3+$0x0], $0xffff  }
0x71: {  	v41 =	vshll.u32 v35, $0x1;
	v42 =	vld [tilespmem:s21+$0x80];
	v55 =	vand.u32 $0xFFFF0000, v6;
	v1 =	vor.u32 v1, v54  }
0x72: {  	v57 =	vor.u32 $0x80, v7;
	v14 =	vand.u32 $0xFFFFFF00, v41;
	[tilespmem:v51+s14+$0x0] =	vst.idx.add.f32.msk $0xffff, v2;
	v2 =	vmul.f32 v55, v16  }
0x73: {  	v5 =	vand.u32 $0xFFFFFF00, v58;
	v30 =	vand.u32 $0x7F, v21;
	v21 =	vld [tilespmem:s21+$0x90];
	v43 =	vand.u32 $0x7F, v35  }
0x74: {  	v7 =	vor.u32 $0x180, v7;
	v44 =	vor.u32 v43, v14;
	[tilespmem:v8+s14+$0x0] =	vst.idx.add.f32.msk $0xffff, v2;
	v2 =	vand.u32 $0x7F, v53  }
0x75: {  	v6 =	vand.u32 $0x7F, v56;
	v56 =	vld [tilespmem:s21+$0xFFFFFF70];
	v60 =	vshll.u32 v3, $0x10;
	v2 =	vor.u32 v2, v5  }
0x76: {  	v48 =	vshll.u32 v42, $0x1;
	v61 =	vld.idx.msk [tilespmem:v1+s3+$0x0], $0xffff;
	v3 =	vand.u32 $0xFFFF0000, v3;
	v62 =	vmul.f32 v60, v45  }
0x77: {  	v49 =	vand.u32 $0x7F, v42;
	v42 =	vld [tilespmem:s21+$0xB0];
	v5 =	vand.u32 $0xFFFFFF00, v23;
	v3 =	vmul.f32 v3, v45  }
0x78: {  	v11 =	vand.u32 $0xFFFFFE00, v20;
	v5 =	vor.u32 v9, v5;
	[tilespmem:v57+s14+$0x0] =	vst.idx.add.f32.msk $0xffff, v62  }
0x79: {  	v22 =	vor.u32 v6, v11;
	[tilespmem:v7+s14+$0x0] =	vst.idx.add.f32.msk $0xffff, v3  }
0x7a: {  	v3 =	vor.u32 $0x100, v22;
	v26 =	vld.idx.msk [tilespmem:v2+s3+$0x0], $0xffff  }
0x7b: {  	v51 =	vld.idx.msk [tilespmem:v44+s3+$0x0], $0xffff;
	v1 =	vor.u32 $0x80, v1;
	v25 =	vshll.u32 v61, $0x10  }
0x7c: {  	v9 =	vld [tilespmem:s21+$0xFFFFFF60];
	v7 =	vand.u32 $0xFFFFFE00, v29;
	v10 =	vand.u32 $0xFFFF0000, v61;
	v27 =	vmul.f32 v25, v63  }
0x7d: {  	v34 =	vshll.u32 v28, $0x2;
	v7 =	vor.u32 v30, v7;
	v10 =	vmul.f32 v10, v63;
	v33 =	vld.idx.msk [tilespmem:v5+s3+$0x0], $0xffff  }
0x7e: {  	v36 =	vand.u32 $0xFFFFFE00, v34;
	v32 =	vor.u32 $0x100, v7;
	[tilespmem:v22+s14+$0x0] =	vst.idx.add.f32.msk $0xffff, v27  }
0x7f: {  	v2 =	vor.u32 $0x80, v2;
	[tilespmem:v3+s14+$0x0] =	vst.idx.add.f32.msk $0xffff, v10;
	v3 =	vand.u32 $0x7F, v28;
	v31 =	vshll.u32 v26, $0x10  }
0x80: {  	v53 =	vld [tilespmem:s21+$0x0];
	v13 =	vand.u32 $0xFFFF0000, v26;
	v3 =	vor.u32 v3, v36;
	v12 =	vmul.f32 v31, v24  }
0x81: {  	v1 =	vld.idx.msk [tilespmem:v1+s3+$0x0], $0xffff;
	v37 =	vmul.f32 v13, v24;
	v10 =	vor.u32 $0x100, v3  }
0x82: {  	v39 =	vshll.u32 v33, $0x10;
	[tilespmem:v7+s14+$0x0] =	vst.idx.add.f32.msk $0xffff, v12  }
0x83: {  	v40 =	vand.u32 $0xFFFF0000, v33;
	v11 =	vmul.f32 v39, v9;
	[tilespmem:v32+s14+$0x0] =	vst.idx.add.f32.msk $0xffff, v37  }
0x84: {  	v38 =	vor.u32 $0x80, v22;
	v13 =	vmul.f32 v40, v9;
	v2 =	vld.idx.msk [tilespmem:v2+s3+$0x0], $0xffff  }
0x85: {  	v50 =	vand.u32 $0xFFFFFF00, v48;
	v4 =	vor.u32 $0x180, v22;
	[tilespmem:v3+s14+$0x0] =	vst.idx.add.f32.msk $0xffff, v11  }
0x86: {  	v28 =	vand.u32 $0x7F, v21;
	v45 =	vshll.u32 v1, $0x10;
	[tilespmem:v10+s14+$0x0] =	vst.idx.add.f32.msk $0xffff, v13;
	v10 =	vor.u32 v49, v50  }
0x87: {  	v26 =	vshll.u32 v21, $0x1;
	v21 =	vld [tilespmem:s21+$0xD0];
	v1 =	vand.u32 $0xFFFF0000, v1;
	v46 =	vmul.f32 v45, v63  }
0x88: {  	v57 =	vshll.u32 v47, $0x2;
	v54 =	vor.u32 $0x80, v7;
	v31 =	vld [tilespmem:s21+$0x10];
	v1 =	vmul.f32 v1, v63  }
0x89: {  	v16 =	vand.u32 $0xFFFFFE00, v57;
	v7 =	vor.u32 $0x180, v7;
	[tilespmem:v38+s14+$0x0] =	vst.idx.add.f32.msk $0xffff, v46  }
0x8a: {  	v5 =	vor.u32 $0x80, v5;
	v13 =	vand.u32 $0x7F, v47;
	[tilespmem:v4+s14+$0x0] =	vst.idx.add.f32.msk $0xffff, v1;
	v52 =	vshll.u32 v2, $0x10  }
0x8b: {  	v61 =	vor.u32 v13, v16;
	v1 =	vand.u32 $0xFFFF0000, v2;
	v2 =	vmul.f32 v52, v24;
	v62 =	vld.idx.msk [tilespmem:v10+s3+$0x0], $0xffff  }
0x8c: {  	v20 =	vshll.u32 v53, $0x2;
	v32 =	vld [tilespmem:s21+$0xA0];
	v19 =	vor.u32 $0x100, v61;
	v1 =	vmul.f32 v1, v24  }
0x8d: {  	v14 =	vand.u32 $0x7F, v53;
	v22 =	vand.u32 $0xFFFFFE00, v20;
	v63 =	vshll.u32 v51, $0x10;
	[tilespmem:v54+s14+$0x0] =	vst.idx.add.f32.msk $0xffff, v2  }
0x8e: {  	v23 =	vmul.f32 v63, v56;
	v4 =	vor.u32 v14, v22;
	[tilespmem:v7+s14+$0x0] =	vst.idx.add.f32.msk $0xffff, v1;
	v1 =	vand.u32 $0xFFFF0000, v51  }
0x8f: {  	v5 =	vld.idx.msk [tilespmem:v5+s3+$0x0], $0xffff;
	v1 =	vmul.f32 v1, v56  }
0x90: {  	[tilespmem:v61+s14+$0x0] =	vst.idx.add.f32.msk $0xffff, v23;
	v2 =	vor.u32 $0x80, v44;
	v24 =	vshll.u32 v62, $0x10  }
0x91: {  	[tilespmem:v19+s14+$0x0] =	vst.idx.add.f32.msk $0xffff, v1;
	v1 =	vmul.f32 v24, v59  }
0x92: {  	v37 =	vld [tilespmem:s21+$0x110];
	v7 =	vand.u32 $0xFFFFFF00, v26  }
0x93: {  	[tilespmem:v4+s14+$0x0] =	vst.idx.add.f32.msk $0xffff, v1;
	v1 =	vor.u32 v28, v7  }
0x94: {  	v58 =	vor.u32 $0x80, v3;
	v45 =	vld [tilespmem:s21+$0x20]  }
0x95: {  	v3 =	vor.u32 $0x180, v3;
	v27 =	vor.u32 $0x80, v10;
	v34 =	vor.u32 $0x80, v61;
	v2 =	vld.idx.msk [tilespmem:v2+s3+$0x0], $0xffff  }
0x96: {  	v49 =	vld [tilespmem:s21+$0x120];
	v12 =	vor.u32 $0x180, v61;
	v25 =	vor.u32 $0x100, v4;
	v55 =	vshll.u32 v5, $0x10  }
0x97: {  	v63 =	vld [tilespmem:s21+$0xC0];
	v38 =	vshll.u32 v31, $0x2;
	v5 =	vand.u32 $0xFFFF0000, v5;
	v60 =	vmul.f32 v55, v9  }
0x98: {  	v39 =	vand.u32 $0xFFFFFE00, v38;
	v5 =	vmul.f32 v5, v9;
	v29 =	vand.u32 $0xFFFF0000, v62;
	v35 =	vld.idx.msk [tilespmem:v1+s3+$0x0], $0xffff  }
0x99: {  	v40 =	vshll.u32 v32, $0x1;
	v41 =	vand.u32 $0x7F, v32;
	[tilespmem:v58+s14+$0x0] =	vst.idx.add.f32.msk $0xffff, v60;
	v30 =	vmul.f32 v29, v59  }
0x9a: {  	v10 =	vand.u32 $0xFFFFFF00, v40;
	[tilespmem:v3+s14+$0x0] =	vst.idx.add.f32.msk $0xffff, v5;
	v3 =	vand.u32 $0x7F, v31;
	v33 =	vshll.u32 v2, $0x10  }
0x9b: {  	v3 =	vor.u32 v3, v39;
	[tilespmem:v25+s14+$0x0] =	vst.idx.add.f32.msk $0xffff, v30;
	v2 =	vand.u32 $0xFFFF0000, v2;
	v6 =	vmul.f32 v33, v56  }
0x9c: {  	v5 =	vor.u32 v41, v10;
	v8 =	vld.idx.msk [tilespmem:v27+s3+$0x0], $0xffff;
	v2 =	vmul.f32 v2, v56  }
0x9d: {  	[tilespmem:v34+s14+$0x0] =	vst.idx.add.f32.msk $0xffff, v6;
	v44 =	vshll.u32 v35, $0x10  }
0x9e: {  	v46 =	vor.u32 $0x100, v3;
	[tilespmem:v12+s14+$0x0] =	vst.idx.add.f32.msk $0xffff, v2;
	v2 =	vmul.f32 v44, v37  }
0x9f: {  	v11 =	vand.u32 $0x7F, v42;
	v36 =	vor.u32 $0x80, v4;
	v52 =	vld [tilespmem:s21+$0x30];
	v1 =	vor.u32 $0x80, v1  }
0xa0: {  	v50 =	vshll.u32 v45, $0x2;
	v47 =	vand.u32 $0xFFFF0000, v35;
	[tilespmem:v3+s14+$0x0] =	vst.idx.add.f32.msk $0xffff, v2;
	v2 =	vshll.u32 v42, $0x1  }
0xa1: {  	v4 =	vor.u32 $0x180, v4;
	v48 =	vld.idx.msk [tilespmem:v5+s3+$0x0], $0xffff;
	v7 =	vmul.f32 v47, v37;
	v2 =	vand.u32 $0xFFFFFF00, v2  }
0xa2: {  	v51 =	vand.u32 $0xFFFFFE00, v50;
	v26 =	vld [tilespmem:s21+$0xE0];
	v43 =	vshll.u32 v8, $0x10;
	v2 =	vor.u32 v11, v2  }
0xa3: {  	v10 =	vand.u32 $0x7F, v45;
	v8 =	vand.u32 $0xFFFF0000, v8;
	v6 =	vmul.f32 v43, v59;
	[tilespmem:v46+s14+$0x0] =	vst.idx.add.f32.msk $0xffff, v7  }
0xa4: {  	v53 =	vor.u32 v10, v51;
	v8 =	vmul.f32 v8, v59;
	v1 =	vld.idx.msk [tilespmem:v1+s3+$0x0], $0xffff  }
0xa5: {  	v55 =	vor.u32 $0x100, v53;
	[tilespmem:v36+s14+$0x0] =	vst.idx.add.f32.msk $0xffff, v6  }
0xa6: {  	v5 =	vor.u32 $0x80, v5;
	v54 =	vshll.u32 v48, $0x10;
	[tilespmem:v4+s14+$0x0] =	vst.idx.add.f32.msk $0xffff, v8  }
0xa7: {  	v56 =	vor.u32 $0x80, v3;
	v9 =	vand.u32 $0xFFFF0000, v48;
	v4 =	vmul.f32 v54, v49;
	v57 =	vld.idx.msk [tilespmem:v2+s3+$0x0], $0xffff  }
0xa8: {  	v58 =	vshll.u32 v52, $0x2;
	v59 =	vmul.f32 v9, v49;
	v3 =	vor.u32 $0x180, v3;
	v11 =	vld [tilespmem:s21+$0x130]  }
0xa9: {  	v60 =	vand.u32 $0x7F, v52;
	v61 =	vand.u32 $0xFFFFFE00, v58;
	[tilespmem:v53+s14+$0x0] =	vst.idx.add.f32.msk $0xffff, v4;
	v62 =	vshll.u32 v1, $0x10  }
0xaa: {  	v9 =	vor.u32 v60, v61;
	[tilespmem:v55+s14+$0x0] =	vst.idx.add.f32.msk $0xffff, v59;
	v1 =	vand.u32 $0xFFFF0000, v1;
	v15 =	vmul.f32 v62, v37  }
0xab: {  	v18 =	vor.u32 $0x100, v9;
	v4 =	vld.idx.msk [tilespmem:v5+s3+$0x0], $0xffff;
	v1 =	vmul.f32 v1, v37  }
0xac: {  	[tilespmem:v56+s14+$0x0] =	vst.idx.add.f32.msk $0xffff, v15;
	v17 =	vshll.u32 v57, $0x10  }
0xad: {  	v2 =	vor.u32 $0x80, v2;
	[tilespmem:v3+s14+$0x0] =	vst.idx.add.f32.msk $0xffff, v1;
	v1 =	vand.u32 $0xFFFF0000, v57;
	v5 =	vmul.f32 v17, v11  }
0xae: {  	v19 =	vshll.u32 v63, $0x1;
	v24 =	vld [tilespmem:s21+$0x40];
	v3 =	vor.u32 $0x80, v53;
	v1 =	vmul.f32 v1, v11  }
0xaf: {  	v20 =	vand.u32 $0x7F, v63;
	[tilespmem:v9+s14+$0x0] =	vst.idx.add.f32.msk $0xffff, v5;
	v5 =	vand.u32 $0xFFFFFF00, v19  }
0xb0: {  	v22 =	vshll.u32 v4, $0x10;
	[tilespmem:v18+s14+$0x0] =	vst.idx.add.f32.msk $0xffff, v1;
	v1 =	vor.u32 v20, v5  }
0xb1: {  	v32 =	vld [tilespmem:s21+$0xF0];
	v23 =	vmul.f32 v22, v49  }
0xb2: {  	v2 =	vld.idx.msk [tilespmem:v2+s3+$0x0], $0xffff  }
0xb3: {  	v30 =	vshll.u32 v24, $0x2;
	[tilespmem:v3+s14+$0x0] =	vst.idx.add.f32.msk $0xffff, v23;
	v3 =	vor.u32 $0x180, v53  }
0xb4: {  	v38 =	vld [tilespmem:s21+$0x60];
	v10 =	vand.u32 $0x7F, v21;
	v25 =	vshll.u32 v21, $0x1;
	v14 =	vand.u32 $0xFFFFFE00, v30  }
0xb5: {  	v27 =	vor.u32 $0x80, v9;
	v35 =	vshll.u32 v26, $0x1;
	v4 =	vand.u32 $0xFFFF0000, v4;
	v28 =	vld.idx.msk [tilespmem:v1+s3+$0x0], $0xffff  }
0xb6: {  	v29 =	vld [tilespmem:s21+$0x140];
	v6 =	vand.u32 $0x7F, v26;
	v4 =	vmul.f32 v4, v49;
	v5 =	vand.u32 $0xFFFFFF00, v25  }
0xb7: {  	v34 =	vld [tilespmem:s21+$0x50];
	v7 =	vand.u32 $0x7F, v24;
	v5 =	vor.u32 v10, v5;
	v31 =	vshll.u32 v2, $0x10  }
0xb8: {  	v36 =	vand.u32 $0xFFFFFF00, v35;
	v33 =	vor.u32 v7, v14;
	[tilespmem:v3+s14+$0x0] =	vst.idx.add.f32.msk $0xffff, v4;
	v3 =	vmul.f32 v31, v11  }
0xb9: {  	v40 =	vld [tilespmem:s21+$0x150];
	v6 =	vor.u32 v6, v36  }
0xba: {  	v39 =	vshll.u32 v32, $0x1;
	[tilespmem:v27+s14+$0x0] =	vst.idx.add.f32.msk $0xffff, v3;
	v3 =	vshll.u32 v28, $0x10  }
0xbb: {  	v43 =	vld [tilespmem:s21+$0x70];
	v14 =	vand.u32 $0xFFFFFF00, v39;
	v15 =	vand.u32 $0x7F, v32;
	v3 =	vmul.f32 v3, v29  }
0xbc: {  	v14 =	vor.u32 v15, v14;
	v37 =	vld.idx.msk [tilespmem:v5+s3+$0x0], $0xffff  }
0xbd: {  	v41 =	vshll.u32 v34, $0x2;
	[tilespmem:v33+s14+$0x0] =	vst.idx.add.f32.msk $0xffff, v3;
	v3 =	vor.u32 $0x100, v33  }
0xbe: {  	v48 =	vshll.u32 v38, $0x2;
	v42 =	vand.u32 $0xFFFFFE00, v41;
	v7 =	vand.u32 $0x7F, v34;
	v44 =	vld.idx.msk [tilespmem:v6+s3+$0x0], $0xffff  }
0xbf: {  	v8 =	vand.u32 $0x7F, v38;
	v7 =	vor.u32 v7, v42;
	v13 =	vand.u32 $0xFFFF0000, v28  }
0xc0: {  	v47 =	vld [tilespmem:s21+$0x160];
	v46 =	vor.u32 $0x100, v7;
	v49 =	vand.u32 $0xFFFFFE00, v48;
	v13 =	vmul.f32 v13, v29  }
0xc1: {  	v22 =	vshll.u32 v43, $0x2;
	v51 =	vld.idx.msk [tilespmem:v14+s3+$0x0], $0xffff;
	v1 =	vor.u32 $0x80, v1;
	v45 =	vshll.u32 v37, $0x10  }
0xc2: {  	v8 =	vor.u32 v8, v49;
	v50 =	vmul.f32 v45, v40;
	[tilespmem:v3+s14+$0x0] =	vst.idx.add.f32.msk $0xffff, v13;
	v3 =	vand.u32 $0xFFFF0000, v37  }
0xc3: {  	v54 =	vshll.u32 v44, $0x10;
	v52 =	vor.u32 $0x100, v8;
	v53 =	vld [tilespmem:s21+$0x170];
	v3 =	vmul.f32 v3, v40  }
0xc4: {  	v22 =	vand.u32 $0xFFFFFE00, v22;
	v17 =	vand.u32 $0x7F, v43;
	v5 =	vor.u32 $0x80, v5;
	[tilespmem:v7+s14+$0x0] =	vst.idx.add.f32.msk $0xffff, v50  }
0xc5: {  	v55 =	vor.u32 v17, v22;
	v13 =	vmul.f32 v54, v47;
	[tilespmem:v46+s14+$0x0] =	vst.idx.add.f32.msk $0xffff, v3;
	v3 =	vand.u32 $0xFFFF0000, v44  }
0xc6: {  	v6 =	vor.u32 $0x80, v6;
	v1 =	vld.idx.msk [tilespmem:v1+s3+$0x0], $0xffff;
	v3 =	vmul.f32 v3, v47  }
0xc7: {  	v17 =	vor.u32 $0x100, v55;
	v56 =	vshll.u32 v51, $0x10;
	[tilespmem:v8+s14+$0x0] =	vst.idx.add.f32.msk $0xffff, v13  }
0xc8: {  	v57 =	vor.u32 $0x80, v14;
	[tilespmem:v52+s14+$0x0] =	vst.idx.add.f32.msk $0xffff, v3;
	v3 =	vmul.f32 v56, v53  }
0xc9: {  	v9 =	vor.u32 $0x180, v9;
	v10 =	vand.u32 $0xFFFF0000, v51;
	v5 =	vld.idx.msk [tilespmem:v5+s3+$0x0], $0xffff  }
0xca: {  	v10 =	vmul.f32 v10, v53;
	[tilespmem:v55+s14+$0x0] =	vst.idx.add.f32.msk $0xffff, v3;
	v3 =	vor.u32 $0x80, v33  }
0xcb: {  	v4 =	vor.u32 $0x180, v33;
	v2 =	vand.u32 $0xFFFF0000, v2;
	v6 =	vld.idx.msk [tilespmem:v6+s3+$0x0], $0xffff  }
0xcc: {  	v59 =	vor.u32 $0x80, v7;
	v2 =	vmul.f32 v2, v11;
	v58 =	vshll.u32 v1, $0x10;
	[tilespmem:v17+s14+$0x0] =	vst.idx.add.f32.msk $0xffff, v10  }
0xcd: {  	v7 =	vor.u32 $0x180, v7;
	v1 =	vand.u32 $0xFFFF0000, v1;
	v10 =	vmul.f32 v58, v29;
	v13 =	vld.idx.msk [tilespmem:v57+s3+$0x0], $0xffff  }
0xce: {  	v60 =	vor.u32 $0x80, v8;
	[tilespmem:v9+s14+$0x0] =	vst.idx.add.f32.msk $0xffff, v2;
	v1 =	vmul.f32 v1, v29;
	v2 =	vshll.u32 v5, $0x10  }
0xcf: {  	v61 =	vor.u32 $0x180, v8;
	v2 =	vmul.f32 v2, v40;
	[tilespmem:v3+s14+$0x0] =	vst.idx.add.f32.msk $0xffff, v10;
	v3 =	vand.u32 $0xFFFF0000, v5  }
0xd0: {  	s20 =	sadd.s32 $0x10, s20;
	v62 =	vor.u32 $0x80, v55;
	[tilespmem:v4+s14+$0x0] =	vst.idx.add.f32.msk $0xffff, v1;
	v1 =	vmul.f32 v3, v40;
	v3 =	vshll.u32 v6, $0x10  }
0xd1: {  	p0 =	slt.u32 s20, $0x180;
	v63 =	vor.u32 $0x180, v55;
	[tilespmem:v59+s14+$0x0] =	vst.idx.add.f32.msk $0xffff, v2;
	v2 =	vand.u32 $0xFFFF0000, v6;
	v3 =	vmul.f32 v3, v47  }
.Ltmp1:
0xd2: {  	[tilespmem:v7+s14+$0x0] =	vst.idx.add.f32.msk $0xffff, v1;
	v1 =	vmul.f32 v2, v47;
	v2 =	vshll.u32 v13, $0x10;
	(pc) =	sbr.rel @p0 .LBB2_5-.Ltmp1, $4  }
0xd3: {  	[tilespmem:v60+s14+$0x0] =	vst.idx.add.f32.msk $0xffff, v3;
	v3 =	vand.u32 $0xFFFF0000, v13;
	v2 =	vmul.f32 v2, v53  }
0xd4: {  	[tilespmem:v61+s14+$0x0] =	vst.idx.add.f32.msk $0xffff, v1;
	v1 =	vmul.f32 v3, v53  }
0xd5: {  	[tilespmem:v62+s14+$0x0] =	vst.idx.add.f32.msk $0xffff, v2  }
0xd6: {  	s21 =	sadd.s32 $0x400, s21;
	[tilespmem:v63+s14+$0x0] =	vst.idx.add.f32.msk $0xffff, v1  }
0xd7: {  	p0 =	seq.s32 s18, $0x18  }
0xd8: {  	_ =	swait.ge [sflag:s15], $0x6400;
	s19 =	sshrl.u32 @!p0 s19, $0x3  }
0xd9: {  	[sflag:s15] =	ssyncset.done $0x0;
	s20 =	simm.s32 @!p0 $0x0;
	s19 =	sadd.s32 @!p0 s2, s19  }
0xda: {  	s21 =	simm.s32 @!p0 $0xED00;
	[sflag:s15] =	ssyncadd.s32 $0xFFFF9C00;
	s19 =	sadd.s32 @!p0 $0x1900, s19  }
0xdb: {  	[tilespmem:s21], [sflag:$0x1] =	stream.linear.gather @!p0 [hbm4b:s19+s20], $0x6400, $0x38;
	[tilespmem:$0x1B500] =	vst v63  }
0xdc: {  	s19 =	simm.s32 $0xFFFFFFF0;
	s20 =	simm.s32 $0x15300  }
.LBB2_7:
0xdd: {  	v1 =	vld [tilespmem:s20+$0xFFFFFE80]  }
0xde: {  	v3 =	vld [tilespmem:s20+$0xFFFFFF00]  }
0xdf: {  	v5 =	vld [tilespmem:s20+$0xFFFFFE90]  }
0xe0: {  	v9 =	vld [tilespmem:s20+$0xFFFFFEA0]  }
0xe1: {  	v26 =	vld [tilespmem:s20+$0xFFFFFE10]  }
0xe2: {  	v30 =	vld [tilespmem:s20+$0xFFFFFF10];
	v2 =	vshll.u32 v1, $0x1  }
0xe3: {  	v31 =	vld [tilespmem:s20+$0xFFFFFE20];
	v1 =	vand.u32 $0x7F, v1;
	v2 =	vand.u32 $0xFFFFFF00, v2  }
0xe4: {  	v11 =	vld [tilespmem:s20+$0xFFFFFEB0];
	v1 =	vor.u32 v1, v2  }
0xe5: {  	v2 =	vld [tilespmem:s20+$0xFFFFFE00]  }
0xe6: {  	v16 =	vld [tilespmem:s20+$0xFFFFFF20]  }
0xe7: {  	v38 =	vld [tilespmem:s20+$0xFFFFFE30]  }
0xe8: {  	v45 =	vld [tilespmem:s20+$0xFFFFFF30]  }
0xe9: {  	v8 =	vshll.u32 v5, $0x1;
	v4 =	vld.idx.msk [tilespmem:v1+s3+$0x0], $0xffff  }
0xea: {  	v49 =	vld [tilespmem:s20+$0xFFFFFEC0];
	v5 =	vand.u32 $0x7F, v5;
	v8 =	vand.u32 $0xFFFFFF00, v8;
	v6 =	vshll.u32 v2, $0x2  }
0xeb: {  	v53 =	vld [tilespmem:s20+$0xFFFFFED0];
	v5 =	vor.u32 v5, v8;
	v2 =	vand.u32 $0x7F, v2;
	v6 =	vand.u32 $0xFFFFFE00, v6  }
0xec: {  	v56 =	vld [tilespmem:s20+$0xFFFFFE40];
	v2 =	vor.u32 v2, v6  }
0xed: {  	v59 =	vld [tilespmem:s20+$0xFFFFFEE0];
	v7 =	vor.u32 $0x100, v2  }
0xee: {  	v63 =	vld [tilespmem:s20+$0xFFFFFF40];
	v25 =	vshll.u32 v4, $0x10  }
0xef: {  	v21 =	vld [tilespmem:s20+$0xFFFFFE50];
	v4 =	vand.u32 $0xFFFF0000, v4;
	v6 =	vmul.f32 v25, v3  }
0xf0: {  	v27 =	vshll.u32 v9, $0x1;
	v1 =	vor.u32 $0x80, v1;
	v28 =	vld.idx.msk [tilespmem:v5+s3+$0x0], $0xffff;
	v4 =	vmul.f32 v4, v3  }
0xf1: {  	v29 =	vand.u32 $0x7F, v9;
	v10 =	vshll.u32 v26, $0x2;
	[tilespmem:v2+s14+$0x0] =	vst.idx.add.f32.msk $0xffff, v6;
	v6 =	vand.u32 $0xFFFFFF00, v27  }
0xf2: {  	v10 =	vand.u32 $0xFFFFFE00, v10;
	[tilespmem:v7+s14+$0x0] =	vst.idx.add.f32.msk $0xffff, v4;
	v6 =	vor.u32 v29, v6;
	v4 =	vand.u32 $0x7F, v26  }
0xf3: {  	v24 =	vld [tilespmem:s20+$0xFFFFFF50];
	v18 =	vshll.u32 v11, $0x1;
	v4 =	vor.u32 v4, v10  }
0xf4: {  	v23 =	vshll.u32 v59, $0x1;
	v9 =	vand.u32 $0x7F, v59;
	v59 =	vld [tilespmem:s20+$0x100];
	v15 =	vor.u32 $0x100, v4  }
0xf5: {  	v35 =	vand.u32 $0x7F, v11;
	v5 =	vor.u32 $0x80, v5;
	v14 =	vshll.u32 v28, $0x10;
	v1 =	vld.idx.msk [tilespmem:v1+s3+$0x0], $0xffff  }
0xf6: {  	v36 =	vand.u32 $0xFFFFFF00, v18;
	v33 =	vmul.f32 v14, v30;
	v7 =	vand.u32 $0xFFFF0000, v28;
	v28 =	vld [tilespmem:s20+$0xFFFFFE60]  }
0xf7: {  	v7 =	vmul.f32 v7, v30;
	v10 =	vor.u32 v35, v36;
	v34 =	vld.idx.msk [tilespmem:v6+s3+$0x0], $0xffff  }
0xf8: {  	v17 =	vshll.u32 v31, $0x2;
	v12 =	vor.u32 $0x80, v2;
	[tilespmem:v4+s14+$0x0] =	vst.idx.add.f32.msk $0xffff, v33  }
0xf9: {  	v17 =	vand.u32 $0xFFFFFE00, v17;
	v8 =	vand.u32 $0x7F, v31;
	v2 =	vor.u32 $0x180, v2;
	[tilespmem:v15+s14+$0x0] =	vst.idx.add.f32.msk $0xffff, v7  }
0xfa: {  	v8 =	vor.u32 v8, v17;
	v13 =	vshll.u32 v1, $0x10;
	v5 =	vld.idx.msk [tilespmem:v5+s3+$0x0], $0xffff  }
0xfb: {  	v40 =	vor.u32 $0x100, v8;
	v35 =	vld [tilespmem:s20+$0xFFFFFEF0];
	v1 =	vand.u32 $0xFFFF0000, v1;
	v32 =	vmul.f32 v13, v3  }
0xfc: {  	v6 =	vor.u32 $0x80, v6;
	v43 =	vld.idx.msk [tilespmem:v10+s3+$0x0], $0xffff;
	v1 =	vmul.f32 v1, v3;
	v37 =	vshll.u32 v34, $0x10  }
0xfd: {  	v44 =	vor.u32 $0x80, v4;
	[tilespmem:v12+s14+$0x0] =	vst.idx.add.f32.msk $0xffff, v32;
	v41 =	vand.u32 $0xFFFF0000, v34;
	v39 =	vmul.f32 v37, v16  }
0xfe: {  	v46 =	vshll.u32 v38, $0x2;
	v4 =	vor.u32 $0x180, v4;
	[tilespmem:v2+s14+$0x0] =	vst.idx.add.f32.msk $0xffff, v1;
	v42 =	vmul.f32 v41, v16  }
0xff: {  	v47 =	vand.u32 $0x7F, v38;
	v48 =	vand.u32 $0xFFFFFE00, v46;
	[tilespmem:v8+s14+$0x0] =	vst.idx.add.f32.msk $0xffff, v39;
	v3 =	vshll.u32 v5, $0x10  }
0x100: {  	v7 =	vor.u32 v47, v48;
	v5 =	vand.u32 $0xFFFF0000, v5;
	[tilespmem:v40+s14+$0x0] =	vst.idx.add.f32.msk $0xffff, v42;
	v3 =	vmul.f32 v3, v30  }
0x101: {  	v50 =	vor.u32 $0x100, v7;
	v1 =	vmul.f32 v5, v30;
	v6 =	vld.idx.msk [tilespmem:v6+s3+$0x0], $0xffff  }
0x102: {  	v2 =	vshll.u32 v43, $0x10;
	[tilespmem:v44+s14+$0x0] =	vst.idx.add.f32.msk $0xffff, v3;
	v3 =	vor.u32 $0x80, v10  }
0x103: {  	v2 =	vmul.f32 v2, v45;
	[tilespmem:v4+s14+$0x0] =	vst.idx.add.f32.msk $0xffff, v1;
	v1 =	vand.u32 $0xFFFF0000, v43  }
0x104: {  	v51 =	vor.u32 $0x80, v8;
	v47 =	vld [tilespmem:s20+$0xFFFFFE70];
	v1 =	vmul.f32 v1, v45  }
0x105: {  	v52 =	vshll.u32 v49, $0x1;
	v58 =	vshll.u32 v53, $0x1;
	v20 =	vshll.u32 v56, $0x2;
	[tilespmem:v7+s14+$0x0] =	vst.idx.add.f32.msk $0xffff, v2  }
0x106: {  	v54 =	vand.u32 $0xFFFFFF00, v52;
	v8 =	vor.u32 $0x180, v8;
	v2 =	vshll.u32 v6, $0x10;
	[tilespmem:v50+s14+$0x0] =	vst.idx.add.f32.msk $0xffff, v1  }
0x107: {  	v29 =	vshll.u32 v21, $0x2;
	v1 =	vand.u32 $0x7F, v49;
	v2 =	vmul.f32 v2, v16;
	v3 =	vld.idx.msk [tilespmem:v3+s3+$0x0], $0xffff  }
0x108: {  	v41 =	vshll.u32 v35, $0x1;
	v42 =	vld [tilespmem:s20+$0x80];
	v55 =	vand.u32 $0xFFFF0000, v6;
	v1 =	vor.u32 v1, v54  }
0x109: {  	v57 =	vor.u32 $0x80, v7;
	v14 =	vand.u32 $0xFFFFFF00, v41;
	[tilespmem:v51+s14+$0x0] =	vst.idx.add.f32.msk $0xffff, v2;
	v2 =	vmul.f32 v55, v16  }
0x10a: {  	v5 =	vand.u32 $0xFFFFFF00, v58;
	v30 =	vand.u32 $0x7F, v21;
	v21 =	vld [tilespmem:s20+$0x90];
	v43 =	vand.u32 $0x7F, v35  }
0x10b: {  	v7 =	vor.u32 $0x180, v7;
	v44 =	vor.u32 v43, v14;
	[tilespmem:v8+s14+$0x0] =	vst.idx.add.f32.msk $0xffff, v2;
	v2 =	vand.u32 $0x7F, v53  }
0x10c: {  	v6 =	vand.u32 $0x7F, v56;
	v56 =	vld [tilespmem:s20+$0xFFFFFF70];
	v60 =	vshll.u32 v3, $0x10;
	v2 =	vor.u32 v2, v5  }
0x10d: {  	v48 =	vshll.u32 v42, $0x1;
	v61 =	vld.idx.msk [tilespmem:v1+s3+$0x0], $0xffff;
	v3 =	vand.u32 $0xFFFF0000, v3;
	v62 =	vmul.f32 v60, v45  }
0x10e: {  	v49 =	vand.u32 $0x7F, v42;
	v42 =	vld [tilespmem:s20+$0xB0];
	v5 =	vand.u32 $0xFFFFFF00, v23;
	v3 =	vmul.f32 v3, v45  }
0x10f: {  	v11 =	vand.u32 $0xFFFFFE00, v20;
	v5 =	vor.u32 v9, v5;
	[tilespmem:v57+s14+$0x0] =	vst.idx.add.f32.msk $0xffff, v62  }
0x110: {  	v22 =	vor.u32 v6, v11;
	[tilespmem:v7+s14+$0x0] =	vst.idx.add.f32.msk $0xffff, v3  }
0x111: {  	v3 =	vor.u32 $0x100, v22;
	v26 =	vld.idx.msk [tilespmem:v2+s3+$0x0], $0xffff  }
0x112: {  	v51 =	vld.idx.msk [tilespmem:v44+s3+$0x0], $0xffff;
	v1 =	vor.u32 $0x80, v1;
	v25 =	vshll.u32 v61, $0x10  }
0x113: {  	v9 =	vld [tilespmem:s20+$0xFFFFFF60];
	v7 =	vand.u32 $0xFFFFFE00, v29;
	v10 =	vand.u32 $0xFFFF0000, v61;
	v27 =	vmul.f32 v25, v63  }
0x114: {  	v34 =	vshll.u32 v28, $0x2;
	v7 =	vor.u32 v30, v7;
	v10 =	vmul.f32 v10, v63;
	v33 =	vld.idx.msk [tilespmem:v5+s3+$0x0], $0xffff  }
0x115: {  	v36 =	vand.u32 $0xFFFFFE00, v34;
	v32 =	vor.u32 $0x100, v7;
	[tilespmem:v22+s14+$0x0] =	vst.idx.add.f32.msk $0xffff, v27  }
0x116: {  	v2 =	vor.u32 $0x80, v2;
	[tilespmem:v3+s14+$0x0] =	vst.idx.add.f32.msk $0xffff, v10;
	v3 =	vand.u32 $0x7F, v28;
	v31 =	vshll.u32 v26, $0x10  }
0x117: {  	v53 =	vld [tilespmem:s20+$0x0];
	v13 =	vand.u32 $0xFFFF0000, v26;
	v3 =	vor.u32 v3, v36;
	v12 =	vmul.f32 v31, v24  }
0x118: {  	v1 =	vld.idx.msk [tilespmem:v1+s3+$0x0], $0xffff;
	v37 =	vmul.f32 v13, v24;
	v10 =	vor.u32 $0x100, v3  }
0x119: {  	v39 =	vshll.u32 v33, $0x10;
	[tilespmem:v7+s14+$0x0] =	vst.idx.add.f32.msk $0xffff, v12  }
0x11a: {  	v40 =	vand.u32 $0xFFFF0000, v33;
	v11 =	vmul.f32 v39, v9;
	[tilespmem:v32+s14+$0x0] =	vst.idx.add.f32.msk $0xffff, v37  }
0x11b: {  	v38 =	vor.u32 $0x80, v22;
	v13 =	vmul.f32 v40, v9;
	v2 =	vld.idx.msk [tilespmem:v2+s3+$0x0], $0xffff  }
0x11c: {  	v50 =	vand.u32 $0xFFFFFF00, v48;
	v4 =	vor.u32 $0x180, v22;
	[tilespmem:v3+s14+$0x0] =	vst.idx.add.f32.msk $0xffff, v11  }
0x11d: {  	v28 =	vand.u32 $0x7F, v21;
	v45 =	vshll.u32 v1, $0x10;
	[tilespmem:v10+s14+$0x0] =	vst.idx.add.f32.msk $0xffff, v13;
	v10 =	vor.u32 v49, v50  }
0x11e: {  	v26 =	vshll.u32 v21, $0x1;
	v21 =	vld [tilespmem:s20+$0xD0];
	v1 =	vand.u32 $0xFFFF0000, v1;
	v46 =	vmul.f32 v45, v63  }
0x11f: {  	v57 =	vshll.u32 v47, $0x2;
	v54 =	vor.u32 $0x80, v7;
	v31 =	vld [tilespmem:s20+$0x10];
	v1 =	vmul.f32 v1, v63  }
0x120: {  	v16 =	vand.u32 $0xFFFFFE00, v57;
	v7 =	vor.u32 $0x180, v7;
	[tilespmem:v38+s14+$0x0] =	vst.idx.add.f32.msk $0xffff, v46  }
0x121: {  	v5 =	vor.u32 $0x80, v5;
	v13 =	vand.u32 $0x7F, v47;
	[tilespmem:v4+s14+$0x0] =	vst.idx.add.f32.msk $0xffff, v1;
	v52 =	vshll.u32 v2, $0x10  }
0x122: {  	v61 =	vor.u32 v13, v16;
	v1 =	vand.u32 $0xFFFF0000, v2;
	v2 =	vmul.f32 v52, v24;
	v62 =	vld.idx.msk [tilespmem:v10+s3+$0x0], $0xffff  }
0x123: {  	v20 =	vshll.u32 v53, $0x2;
	v32 =	vld [tilespmem:s20+$0xA0];
	v19 =	vor.u32 $0x100, v61;
	v1 =	vmul.f32 v1, v24  }
0x124: {  	v14 =	vand.u32 $0x7F, v53;
	v22 =	vand.u32 $0xFFFFFE00, v20;
	v63 =	vshll.u32 v51, $0x10;
	[tilespmem:v54+s14+$0x0] =	vst.idx.add.f32.msk $0xffff, v2  }
0x125: {  	v23 =	vmul.f32 v63, v56;
	v4 =	vor.u32 v14, v22;
	[tilespmem:v7+s14+$0x0] =	vst.idx.add.f32.msk $0xffff, v1;
	v1 =	vand.u32 $0xFFFF0000, v51  }
0x126: {  	v5 =	vld.idx.msk [tilespmem:v5+s3+$0x0], $0xffff;
	v1 =	vmul.f32 v1, v56  }
0x127: {  	[tilespmem:v61+s14+$0x0] =	vst.idx.add.f32.msk $0xffff, v23;
	v2 =	vor.u32 $0x80, v44;
	v24 =	vshll.u32 v62, $0x10  }
0x128: {  	[tilespmem:v19+s14+$0x0] =	vst.idx.add.f32.msk $0xffff, v1;
	v1 =	vmul.f32 v24, v59  }
0x129: {  	v37 =	vld [tilespmem:s20+$0x110];
	v7 =	vand.u32 $0xFFFFFF00, v26  }
0x12a: {  	[tilespmem:v4+s14+$0x0] =	vst.idx.add.f32.msk $0xffff, v1;
	v1 =	vor.u32 v28, v7  }
0x12b: {  	v58 =	vor.u32 $0x80, v3;
	v45 =	vld [tilespmem:s20+$0x20]  }
0x12c: {  	v3 =	vor.u32 $0x180, v3;
	v27 =	vor.u32 $0x80, v10;
	v34 =	vor.u32 $0x80, v61;
	v2 =	vld.idx.msk [tilespmem:v2+s3+$0x0], $0xffff  }
0x12d: {  	v49 =	vld [tilespmem:s20+$0x120];
	v12 =	vor.u32 $0x180, v61;
	v25 =	vor.u32 $0x100, v4;
	v55 =	vshll.u32 v5, $0x10  }
0x12e: {  	v63 =	vld [tilespmem:s20+$0xC0];
	v38 =	vshll.u32 v31, $0x2;
	v5 =	vand.u32 $0xFFFF0000, v5;
	v60 =	vmul.f32 v55, v9  }
0x12f: {  	v39 =	vand.u32 $0xFFFFFE00, v38;
	v5 =	vmul.f32 v5, v9;
	v29 =	vand.u32 $0xFFFF0000, v62;
	v35 =	vld.idx.msk [tilespmem:v1+s3+$0x0], $0xffff  }
0x130: {  	v40 =	vshll.u32 v32, $0x1;
	v41 =	vand.u32 $0x7F, v32;
	[tilespmem:v58+s14+$0x0] =	vst.idx.add.f32.msk $0xffff, v60;
	v30 =	vmul.f32 v29, v59  }
0x131: {  	v10 =	vand.u32 $0xFFFFFF00, v40;
	[tilespmem:v3+s14+$0x0] =	vst.idx.add.f32.msk $0xffff, v5;
	v3 =	vand.u32 $0x7F, v31;
	v33 =	vshll.u32 v2, $0x10  }
0x132: {  	v3 =	vor.u32 v3, v39;
	[tilespmem:v25+s14+$0x0] =	vst.idx.add.f32.msk $0xffff, v30;
	v2 =	vand.u32 $0xFFFF0000, v2;
	v6 =	vmul.f32 v33, v56  }
0x133: {  	v5 =	vor.u32 v41, v10;
	v8 =	vld.idx.msk [tilespmem:v27+s3+$0x0], $0xffff;
	v2 =	vmul.f32 v2, v56  }
0x134: {  	[tilespmem:v34+s14+$0x0] =	vst.idx.add.f32.msk $0xffff, v6;
	v44 =	vshll.u32 v35, $0x10  }
0x135: {  	v46 =	vor.u32 $0x100, v3;
	[tilespmem:v12+s14+$0x0] =	vst.idx.add.f32.msk $0xffff, v2;
	v2 =	vmul.f32 v44, v37  }
0x136: {  	v11 =	vand.u32 $0x7F, v42;
	v36 =	vor.u32 $0x80, v4;
	v52 =	vld [tilespmem:s20+$0x30];
	v1 =	vor.u32 $0x80, v1  }
0x137: {  	v50 =	vshll.u32 v45, $0x2;
	v47 =	vand.u32 $0xFFFF0000, v35;
	[tilespmem:v3+s14+$0x0] =	vst.idx.add.f32.msk $0xffff, v2;
	v2 =	vshll.u32 v42, $0x1  }
0x138: {  	v4 =	vor.u32 $0x180, v4;
	v48 =	vld.idx.msk [tilespmem:v5+s3+$0x0], $0xffff;
	v7 =	vmul.f32 v47, v37;
	v2 =	vand.u32 $0xFFFFFF00, v2  }
0x139: {  	v51 =	vand.u32 $0xFFFFFE00, v50;
	v26 =	vld [tilespmem:s20+$0xE0];
	v43 =	vshll.u32 v8, $0x10;
	v2 =	vor.u32 v11, v2  }
0x13a: {  	v10 =	vand.u32 $0x7F, v45;
	v8 =	vand.u32 $0xFFFF0000, v8;
	v6 =	vmul.f32 v43, v59;
	[tilespmem:v46+s14+$0x0] =	vst.idx.add.f32.msk $0xffff, v7  }
0x13b: {  	v53 =	vor.u32 v10, v51;
	v8 =	vmul.f32 v8, v59;
	v1 =	vld.idx.msk [tilespmem:v1+s3+$0x0], $0xffff  }
0x13c: {  	v55 =	vor.u32 $0x100, v53;
	[tilespmem:v36+s14+$0x0] =	vst.idx.add.f32.msk $0xffff, v6  }
0x13d: {  	v5 =	vor.u32 $0x80, v5;
	v54 =	vshll.u32 v48, $0x10;
	[tilespmem:v4+s14+$0x0] =	vst.idx.add.f32.msk $0xffff, v8  }
0x13e: {  	v56 =	vor.u32 $0x80, v3;
	v9 =	vand.u32 $0xFFFF0000, v48;
	v4 =	vmul.f32 v54, v49;
	v57 =	vld.idx.msk [tilespmem:v2+s3+$0x0], $0xffff  }
0x13f: {  	v58 =	vshll.u32 v52, $0x2;
	v59 =	vmul.f32 v9, v49;
	v3 =	vor.u32 $0x180, v3;
	v11 =	vld [tilespmem:s20+$0x130]  }
0x140: {  	v60 =	vand.u32 $0x7F, v52;
	v61 =	vand.u32 $0xFFFFFE00, v58;
	[tilespmem:v53+s14+$0x0] =	vst.idx.add.f32.msk $0xffff, v4;
	v62 =	vshll.u32 v1, $0x10  }
0x141: {  	v9 =	vor.u32 v60, v61;
	[tilespmem:v55+s14+$0x0] =	vst.idx.add.f32.msk $0xffff, v59;
	v1 =	vand.u32 $0xFFFF0000, v1;
	v15 =	vmul.f32 v62, v37  }
0x142: {  	v18 =	vor.u32 $0x100, v9;
	v4 =	vld.idx.msk [tilespmem:v5+s3+$0x0], $0xffff;
	v1 =	vmul.f32 v1, v37  }
0x143: {  	[tilespmem:v56+s14+$0x0] =	vst.idx.add.f32.msk $0xffff, v15;
	v17 =	vshll.u32 v57, $0x10  }
0x144: {  	v2 =	vor.u32 $0x80, v2;
	[tilespmem:v3+s14+$0x0] =	vst.idx.add.f32.msk $0xffff, v1;
	v1 =	vand.u32 $0xFFFF0000, v57;
	v5 =	vmul.f32 v17, v11  }
0x145: {  	v19 =	vshll.u32 v63, $0x1;
	v24 =	vld [tilespmem:s20+$0x40];
	v3 =	vor.u32 $0x80, v53;
	v1 =	vmul.f32 v1, v11  }
0x146: {  	v20 =	vand.u32 $0x7F, v63;
	[tilespmem:v9+s14+$0x0] =	vst.idx.add.f32.msk $0xffff, v5;
	v5 =	vand.u32 $0xFFFFFF00, v19  }
0x147: {  	v22 =	vshll.u32 v4, $0x10;
	[tilespmem:v18+s14+$0x0] =	vst.idx.add.f32.msk $0xffff, v1;
	v1 =	vor.u32 v20, v5  }
0x148: {  	v32 =	vld [tilespmem:s20+$0xF0];
	v23 =	vmul.f32 v22, v49  }
0x149: {  	v2 =	vld.idx.msk [tilespmem:v2+s3+$0x0], $0xffff  }
0x14a: {  	v30 =	vshll.u32 v24, $0x2;
	[tilespmem:v3+s14+$0x0] =	vst.idx.add.f32.msk $0xffff, v23;
	v3 =	vor.u32 $0x180, v53  }
0x14b: {  	v38 =	vld [tilespmem:s20+$0x60];
	v10 =	vand.u32 $0x7F, v21;
	v25 =	vshll.u32 v21, $0x1;
	v14 =	vand.u32 $0xFFFFFE00, v30  }
0x14c: {  	v27 =	vor.u32 $0x80, v9;
	v35 =	vshll.u32 v26, $0x1;
	v4 =	vand.u32 $0xFFFF0000, v4;
	v28 =	vld.idx.msk [tilespmem:v1+s3+$0x0], $0xffff  }
0x14d: {  	v29 =	vld [tilespmem:s20+$0x140];
	v6 =	vand.u32 $0x7F, v26;
	v4 =	vmul.f32 v4, v49;
	v5 =	vand.u32 $0xFFFFFF00, v25  }
0x14e: {  	v34 =	vld [tilespmem:s20+$0x50];
	v7 =	vand.u32 $0x7F, v24;
	v5 =	vor.u32 v10, v5;
	v31 =	vshll.u32 v2, $0x10  }
0x14f: {  	v36 =	vand.u32 $0xFFFFFF00, v35;
	v33 =	vor.u32 v7, v14;
	[tilespmem:v3+s14+$0x0] =	vst.idx.add.f32.msk $0xffff, v4;
	v3 =	vmul.f32 v31, v11  }
0x150: {  	v40 =	vld [tilespmem:s20+$0x150];
	v6 =	vor.u32 v6, v36  }
0x151: {  	v39 =	vshll.u32 v32, $0x1;
	[tilespmem:v27+s14+$0x0] =	vst.idx.add.f32.msk $0xffff, v3;
	v3 =	vshll.u32 v28, $0x10  }
0x152: {  	v43 =	vld [tilespmem:s20+$0x70];
	v14 =	vand.u32 $0xFFFFFF00, v39;
	v15 =	vand.u32 $0x7F, v32;
	v3 =	vmul.f32 v3, v29  }
0x153: {  	v14 =	vor.u32 v15, v14;
	v37 =	vld.idx.msk [tilespmem:v5+s3+$0x0], $0xffff  }
0x154: {  	v41 =	vshll.u32 v34, $0x2;
	[tilespmem:v33+s14+$0x0] =	vst.idx.add.f32.msk $0xffff, v3;
	v3 =	vor.u32 $0x100, v33  }
0x155: {  	v48 =	vshll.u32 v38, $0x2;
	v42 =	vand.u32 $0xFFFFFE00, v41;
	v7 =	vand.u32 $0x7F, v34;
	v44 =	vld.idx.msk [tilespmem:v6+s3+$0x0], $0xffff  }
0x156: {  	v8 =	vand.u32 $0x7F, v38;
	v7 =	vor.u32 v7, v42;
	v13 =	vand.u32 $0xFFFF0000, v28  }
0x157: {  	v47 =	vld [tilespmem:s20+$0x160];
	v46 =	vor.u32 $0x100, v7;
	v49 =	vand.u32 $0xFFFFFE00, v48;
	v13 =	vmul.f32 v13, v29  }
0x158: {  	v22 =	vshll.u32 v43, $0x2;
	v51 =	vld.idx.msk [tilespmem:v14+s3+$0x0], $0xffff;
	v1 =	vor.u32 $0x80, v1;
	v45 =	vshll.u32 v37, $0x10  }
0x159: {  	v8 =	vor.u32 v8, v49;
	v50 =	vmul.f32 v45, v40;
	[tilespmem:v3+s14+$0x0] =	vst.idx.add.f32.msk $0xffff, v13;
	v3 =	vand.u32 $0xFFFF0000, v37  }
0x15a: {  	v54 =	vshll.u32 v44, $0x10;
	v52 =	vor.u32 $0x100, v8;
	v53 =	vld [tilespmem:s20+$0x170];
	v3 =	vmul.f32 v3, v40  }
0x15b: {  	v22 =	vand.u32 $0xFFFFFE00, v22;
	v17 =	vand.u32 $0x7F, v43;
	v5 =	vor.u32 $0x80, v5;
	[tilespmem:v7+s14+$0x0] =	vst.idx.add.f32.msk $0xffff, v50  }
0x15c: {  	v55 =	vor.u32 v17, v22;
	v13 =	vmul.f32 v54, v47;
	[tilespmem:v46+s14+$0x0] =	vst.idx.add.f32.msk $0xffff, v3;
	v3 =	vand.u32 $0xFFFF0000, v44  }
0x15d: {  	v6 =	vor.u32 $0x80, v6;
	v1 =	vld.idx.msk [tilespmem:v1+s3+$0x0], $0xffff;
	v3 =	vmul.f32 v3, v47  }
0x15e: {  	v17 =	vor.u32 $0x100, v55;
	v56 =	vshll.u32 v51, $0x10;
	[tilespmem:v8+s14+$0x0] =	vst.idx.add.f32.msk $0xffff, v13  }
0x15f: {  	v57 =	vor.u32 $0x80, v14;
	[tilespmem:v52+s14+$0x0] =	vst.idx.add.f32.msk $0xffff, v3;
	v3 =	vmul.f32 v56, v53  }
0x160: {  	v9 =	vor.u32 $0x180, v9;
	v10 =	vand.u32 $0xFFFF0000, v51;
	v5 =	vld.idx.msk [tilespmem:v5+s3+$0x0], $0xffff  }
0x161: {  	v10 =	vmul.f32 v10, v53;
	[tilespmem:v55+s14+$0x0] =	vst.idx.add.f32.msk $0xffff, v3;
	v3 =	vor.u32 $0x80, v33  }
0x162: {  	v4 =	vor.u32 $0x180, v33;
	v2 =	vand.u32 $0xFFFF0000, v2;
	v6 =	vld.idx.msk [tilespmem:v6+s3+$0x0], $0xffff  }
0x163: {  	v59 =	vor.u32 $0x80, v7;
	v2 =	vmul.f32 v2, v11;
	v58 =	vshll.u32 v1, $0x10;
	[tilespmem:v17+s14+$0x0] =	vst.idx.add.f32.msk $0xffff, v10  }
0x164: {  	v7 =	vor.u32 $0x180, v7;
	v1 =	vand.u32 $0xFFFF0000, v1;
	v10 =	vmul.f32 v58, v29;
	v13 =	vld.idx.msk [tilespmem:v57+s3+$0x0], $0xffff  }
0x165: {  	v60 =	vor.u32 $0x80, v8;
	[tilespmem:v9+s14+$0x0] =	vst.idx.add.f32.msk $0xffff, v2;
	v1 =	vmul.f32 v1, v29;
	v2 =	vshll.u32 v5, $0x10  }
0x166: {  	v61 =	vor.u32 $0x180, v8;
	v2 =	vmul.f32 v2, v40;
	[tilespmem:v3+s14+$0x0] =	vst.idx.add.f32.msk $0xffff, v10;
	v3 =	vand.u32 $0xFFFF0000, v5  }
0x167: {  	s19 =	sadd.s32 $0x10, s19;
	v62 =	vor.u32 $0x80, v55;
	[tilespmem:v4+s14+$0x0] =	vst.idx.add.f32.msk $0xffff, v1;
	v1 =	vmul.f32 v3, v40;
	v3 =	vshll.u32 v6, $0x10  }
0x168: {  	p0 =	slt.u32 s19, $0x180;
	v63 =	vor.u32 $0x180, v55;
	[tilespmem:v59+s14+$0x0] =	vst.idx.add.f32.msk $0xffff, v2;
	v2 =	vand.u32 $0xFFFF0000, v6;
	v3 =	vmul.f32 v3, v47  }
.Ltmp2:
0x169: {  	[tilespmem:v7+s14+$0x0] =	vst.idx.add.f32.msk $0xffff, v1;
	v1 =	vmul.f32 v2, v47;
	v2 =	vshll.u32 v13, $0x10;
	(pc) =	sbr.rel @p0 .LBB2_7-.Ltmp2, $4  }
0x16a: {  	[tilespmem:v60+s14+$0x0] =	vst.idx.add.f32.msk $0xffff, v3;
	v3 =	vand.u32 $0xFFFF0000, v13;
	v2 =	vmul.f32 v2, v53  }
0x16b: {  	[tilespmem:v61+s14+$0x0] =	vst.idx.add.f32.msk $0xffff, v1;
	v1 =	vmul.f32 v3, v53  }
0x16c: {  	[tilespmem:v62+s14+$0x0] =	vst.idx.add.f32.msk $0xffff, v2  }
0x16d: {  	s20 =	sadd.s32 $0x400, s20;
	[tilespmem:v63+s14+$0x0] =	vst.idx.add.f32.msk $0xffff, v1  }
0x16e: {  	s18 =	sadd.s32 $0x1, s18  }
0x16f: {  	p0 =	sne.s32 s18, $0x19  }
.Ltmp3:
0x170: {  	_ = 	snop;
	(pc) =	sbr.rel @p0 .LBB2_4-.Ltmp3, $1  }
0x171: {  	_ =	sdelay $0x3  }
0x172: {  	s18 =	simm.s32 $0x4F00  }
0x173: {  	s19 =	simm.s32 $0x80;
	s21 =	sadd.s32 $0x0, s5;
	s20 =	simm.s32 $0x5100  }
.LBB2_10:
0x174: {  	[hbm4b:s21+s3] =	stream.linear.scatter [tilespmem:s18], [sflag:$0x4], $0x100, $0x38;
	[tilespmem:$0x1B500] =	vst v63  }
0x175: {  	s21 =	smov.u32 s19;
	s18 =	smov.u32 s20;
	p0 =	sne.s32 s19, $0x2700  }
.Ltmp4:
0x176: {  	s19 =	sadd.s32 $0x80, s19;
	(pc) =	sbr.rel @p0 .LBB2_10-.Ltmp4, $2  }
0x177: {  	_ =	sdelay $0x2  }
0x178: {  	s20 =	sadd.s32 $0x200, s20;
	s21 =	sadd.s32 s21, s5  }
0x179: {  	[hbm4b:s21+s3] =	stream.linear.scatter [tilespmem:s18], [sflag:$0x4], $0x100, $0x38;
	[tilespmem:$0x1B500] =	vst v63  }
0x17a: {  	_ =	swait.ge [sflag:s16], $0x4F00  }
0x17b: {  	s18 =	simm.s32 $0x5000;
	s19 =	simm.s32 $0x80;
	[sflag:s16] =	ssyncset.done $0x0  }
0x17c: {  	s21 =	sadd.s32 $0x0, s6;
	s20 =	simm.s32 $0x5200;
	[sflag:s16] =	ssyncadd.s32 $0xFFFFB100  }
.LBB2_12:
0x17d: {  	[hbm4b:s21+s3] =	stream.linear.scatter [tilespmem:s18], [sflag:$0x4], $0x100, $0x38;
	[tilespmem:$0x1B500] =	vst v63  }
0x17e: {  	s21 =	smov.u32 s19;
	s18 =	smov.u32 s20;
	p0 =	sne.s32 s19, $0x2700  }
.Ltmp5:
0x17f: {  	s19 =	sadd.s32 $0x80, s19;
	(pc) =	sbr.rel @p0 .LBB2_12-.Ltmp5, $2  }
0x180: {  	_ =	sdelay $0x2  }
0x181: {  	s20 =	sadd.s32 $0x200, s20;
	s21 =	sadd.s32 s21, s6  }
0x182: {  	s17 =	sadd.s32 $0x1, s17  }
0x183: {  	p0 =	sne.s32 s17, s7  }
.Ltmp6:
0x184: {  	_ = 	snop;
	(pc) =	sbr.rel @p0 .LBB2_1-.Ltmp6, $4  }
0x185: {  	[hbm4b:s21+s3] =	stream.linear.scatter [tilespmem:s18], [sflag:$0x4], $0x100, $0x38;
	[tilespmem:$0x1B500] =	vst v63  }
0x186: {  	_ =	swait.ge [sflag:s16], $0x4F00  }
0x187: {  	[sflag:s16] =	ssyncset.done $0x0  }
0x188: {  	[sflag:s16] =	ssyncadd.s32 $0xFFFFB100  }
0x189: {  	_ =	sfence.sel $0x180000  }
0x18a: {  	[bflag:$0x0] =	sbarrier.arrive $0xFFFF  }
0x18b: {  	p0 =	sne.s32 s0, $0x0;
	_ =	strace $0x90000047  }
0x18c: {  	s0 =	sadd.s32 @!p0 $0x100000, s1;
	[bflag:$0x2] =	sbarrier.arrive $0xFFFF  }
0x18d: {  	[sflag:s0] =	ssyncadd.tile.s32 @!p0 $0x1;
	_ =	shalt  }
.Lfunc_end2:
_tile_overlayer_lowered:
.L_overlay_start_2:
0x18e: {  	(tag) =	ssettag $0x2  }
0x18f: {  	s0 =	rddreg [dreg:$0x0];
	s2 =	stileid.u32  }
0x190: {  	s1 =	rddreg [dreg:$0x1];
	p0 =	sne.s32 s2, $0x0  }
0x191: {  	s3 =	rddreg [dreg:$0x2];
	[bflag:$0x3] =	sbarrier.arrive $0xFFFF;
	s2 =	simm.s32 @!p0 $0x1C04  }
0x192: {  	[timem:s3], [sflag:s2] =	dma.local @!p0 [hbm:s0], s1  }
0x193: {  	s0 =	simm.s32 @!p0 $0x4  }
0x194: {  	_ =	swait.ge @!p0 [sflag:s0], s1  }
0x195: {  	s1 =	ssub.s32 @!p0 $0x0, s1;
	[sflag:s0] =	ssyncset.done @!p0 $0x0  }
0x196: {  	[sflag:s0] =	ssyncadd.s32 @!p0 s1  }
0x197: {  	[bflag:$0x3] =	sbarrier.arrive $0xFFFF  }
0x198: {  	_ =	shalt  }

</sc_bundles>
